<compile_context>
chip_gen: v7x
topology: tpu7x:2x2x1
jax: 0.10.2.dev20260603
libtpu: 0.0.44.dev20260713+nightly
codegen_flags: <defaults>
</compile_context>

<pallas_src>
import jax
import jax.numpy as jnp
from jax import lax
from jax.experimental import pallas as pl
from jax.experimental.pallas import tpu as pltpu
from jax.experimental.pallas import tpu_sc as plsc

D_MODEL = 128
LANES = 16
NUM_CORES = 2
NUM_SUBCORES = 16
NUM_WORKERS = NUM_CORES * NUM_SUBCORES

B_TOTAL = 4096 * 200
ROWS_PER_WORKER = B_TOTAL // NUM_WORKERS
CHUNK = 128
NUM_CHUNKS = ROWS_PER_WORKER // CHUNK
NBUF = 4

_SCALE = float(D_MODEL ** 0.5)


def _sc_body(x_hbm, table_hbm, out_hbm, idx_all,
             rows0, rows1, rows2, rows3,
             gsem0, gsem1, gsem2, gsem3,
             ssem0, ssem1, ssem2, ssem3):
    rows_v = (rows0, rows1, rows2, rows3)
    gsem = (gsem0, gsem1, gsem2, gsem3)
    ssem = (ssem0, ssem1, ssem2, ssem3)

    wid = lax.axis_index("s") * NUM_CORES + lax.axis_index("c")
    base = wid * ROWS_PER_WORKER

    pltpu.sync_copy(x_hbm.at[pl.ds(base, ROWS_PER_WORKER)], idx_all)

    def idx_slice(g):
        return idx_all.at[pl.ds(g * CHUNK, CHUNK)]

    def start_gather(b, g):
        pltpu.async_copy(table_hbm.at[idx_slice(g)], rows_v[b], gsem[b])

    def wait_gather(b, g):
        pltpu.make_async_copy(table_hbm.at[idx_slice(g)], rows_v[b],
                              gsem[b]).wait()

    def start_scatter(b, g):
        pltpu.async_copy(rows_v[b], out_hbm.at[pl.ds(base + g * CHUNK, CHUNK)],
                         ssem[b])

    def wait_scatter(b, g):
        pltpu.make_async_copy(rows_v[b],
                              out_hbm.at[pl.ds(base + g * CHUNK, CHUNK)],
                              ssem[b]).wait()

    def scale_rows(b):
        def row_body(r, c):
            for u in range(2):
                for j in range(D_MODEL // LANES):
                    sl = pl.ds(j * LANES, LANES)
                    rows_v[b][2 * r + u, sl] = rows_v[b][2 * r + u, sl] * _SCALE
            return c
        lax.fori_loop(0, CHUNK // 2, row_body, 0)

    start_gather(0, 0)
    start_gather(1, 1)

    def outer(gg, carry):
        for b in range(NBUF):
            g = NBUF * gg + b
            wait_gather(b, g)

            @pl.when(g + 2 < NUM_CHUNKS)
            def _():
                bn = (b + 2) % NBUF
                @pl.when(g >= 2)
                def _():
                    wait_scatter(bn, g - 2)

                start_gather(bn, g + 2)

            scale_rows(b)
            start_scatter(b, g)
        return carry

    lax.fori_loop(0, NUM_CHUNKS // NBUF, outer, 0)
    for b in range(NBUF):
        wait_scatter(b, NUM_CHUNKS - NBUF + b)


@jax.jit
def kernel(x, embedding):
    idx = x.reshape(B_TOTAL)
    if idx.dtype != jnp.int32:
        idx = idx.astype(jnp.int32)
    mesh = plsc.VectorSubcoreMesh(core_axis_name="c", subcore_axis_name="s")
    out = pl.kernel(
        _sc_body,
        out_type=jax.ShapeDtypeStruct((B_TOTAL, D_MODEL), jnp.float32),
        mesh=mesh,
        scratch_types=(
            [pltpu.VMEM((ROWS_PER_WORKER,), jnp.int32)]
            + [pltpu.VMEM((CHUNK, D_MODEL), jnp.float32)] * NBUF
            + [pltpu.SemaphoreType.DMA] * (2 * NBUF)
        ),
    )(idx, embedding)
    return out.reshape(x.shape + (D_MODEL,))

# --- scband reference (transcript-rebuilt; emitter-appended) ---
"""Pipeline reference for scband-input-embeddings-8306466750690 (READ-ONLY COPY).

The authoritative reference and input builder live on the scoring server;
editing this copy changes nothing except your own understanding.
"""

import jax, jax.numpy as jnp
import numpy as np

D_MODEL = 128
VOCAB_SIZE = 1000000

def setup_inputs(seed: int = 0) -> dict:
    key = jax.random.key(seed)
    k1, k2 = jax.random.split(key)
    x = jax.random.randint(k1, (4096, 200), 0, VOCAB_SIZE, dtype=jnp.int64 if jax.config.jax_enable_x64 else jnp.int32)
    # nn.Embed default init: variance_scaling(1.0, 'fan_in', 'normal', out_axis=0) -> approx normal with stddev 1/sqrt(features)
    embedding = jax.random.normal(k2, (VOCAB_SIZE, D_MODEL), dtype=jnp.float32) * (1.0 / np.sqrt(D_MODEL))
    return {"x": x, "embedding": embedding}

def reference(x, embedding):
    # Faithful translation of InputEmbeddings.__call__:
    # self.embedding(x) * self.d_model ** 0.5
    emb = jnp.take(embedding, x, axis=0)
    return emb * (D_MODEL ** 0.5)

if __name__ == "__main__":
    import jax
    _d = setup_inputs()
    print(jax.jit(kernel)(*tuple(_d.values())))

</pallas_src>

<mosaic_0001>
#map = affine_map<(d0, d1) -> (0)>
#map1 = affine_map<(d0, d1) -> (0, 0)>
module attributes {stable_mosaic.version = 14 : i64} {
  func.func @_sc_body(%arg0: i32, %arg1: i32, %arg2: memref<819200xi32, #tpu.memory_space<hbm>>, %arg3: memref<1000000x128xf32, #tpu.memory_space<hbm>>, %arg4: memref<819200x128xf32, #tpu.memory_space<hbm>>, %arg5: memref<25600xi32, #tpu.memory_space<vmem>>, %arg6: memref<128x128xf32, #tpu.memory_space<vmem>>, %arg7: memref<128x128xf32, #tpu.memory_space<vmem>>, %arg8: memref<128x128xf32, #tpu.memory_space<vmem>>, %arg9: memref<128x128xf32, #tpu.memory_space<vmem>>, %arg10: memref<!tpu.dma_semaphore, #tpu.memory_space<semaphore_mem>>, %arg11: memref<!tpu.dma_semaphore, #tpu.memory_space<semaphore_mem>>, %arg12: memref<!tpu.dma_semaphore, #tpu.memory_space<semaphore_mem>>, %arg13: memref<!tpu.dma_semaphore, #tpu.memory_space<semaphore_mem>>, %arg14: memref<!tpu.dma_semaphore, #tpu.memory_space<semaphore_mem>>, %arg15: memref<!tpu.dma_semaphore, #tpu.memory_space<semaphore_mem>>, %arg16: memref<!tpu.dma_semaphore, #tpu.memory_space<semaphore_mem>>, %arg17: memref<!tpu.dma_semaphore, #tpu.memory_space<semaphore_mem>>) attributes {dimension_semantics = [#tpu.dimension_semantics<core_parallel>, #tpu.dimension_semantics<subcore_parallel>], iteration_bounds = array<i64: 2, 16>, scalar_prefetch = 0 : i64, scratch_operands = 13 : i64, tpu.core_type = #tpu.core_type<sc_vector_subcore>, window_params = [{transform_indices = #map}, {transform_indices = #map1}, {transform_indices = #map1}]} {
    %mul3A = arith.constant 2 : i32
    %mul3A_0 = arith.muli %arg1, %mul3A : i32
    %add3A = arith.addi %mul3A_0, %arg0 : i32
    %mul3A_1 = arith.constant 25600 : i32
    %mul3A_2 = arith.muli %add3A, %mul3A_1 : i32
    "tpu.region"() ({
      %run_scoped3A = tpu.sem_alloc : memref<!tpu.dma_semaphore, #tpu.memory_space<semaphore_mem>>
      %dma_start3A_40 = tpu.memref_slice %arg2[%mul3A_2] : memref<819200xi32, #tpu.memory_space<hbm>> -> memref<25600xi32, #tpu.memory_space<hbm>>
      %dma_start3A_41 = tpu.memref_slice %arg2[%mul3A_2] : memref<819200xi32, #tpu.memory_space<hbm>> -> memref<25600xi32, #tpu.memory_space<hbm>>
      tpu.enqueue_dma source(%dma_start3A_41 : memref<25600xi32, #tpu.memory_space<hbm>>) target(%arg5 : memref<25600xi32, #tpu.memory_space<vmem>>) target_semaphore(%run_scoped3A : memref<!tpu.dma_semaphore, #tpu.memory_space<semaphore_mem>>)
      %dma_wait3A_42 = tpu.memref_slice %arg2[%mul3A_2] : memref<819200xi32, #tpu.memory_space<hbm>> -> memref<25600xi32, #tpu.memory_space<hbm>>
      %dma_wait3A_43 = tpu.memref_slice %arg2[%mul3A_2] : memref<819200xi32, #tpu.memory_space<hbm>> -> memref<25600xi32, #tpu.memory_space<hbm>>
      tpu.wait_dma2 semaphore(%run_scoped3A : memref<!tpu.dma_semaphore, #tpu.memory_space<semaphore_mem>>) src(%dma_wait3A_43 : memref<25600xi32, #tpu.memory_space<hbm>>) dst(%arg5 : memref<25600xi32, #tpu.memory_space<vmem>>)
      tpu.yield
    }) : () -> ()
    %dma_start3A = arith.constant 0 : i32
    %dma_start3A_3 = tpu.memref_slice %arg5[%dma_start3A] : memref<25600xi32, #tpu.memory_space<vmem>> -> memref<128xi32, #tpu.memory_space<vmem>>
    %dma_start3A_4 = arith.constant 0 : i32
    %dma_start3A_5 = arith.constant 0 : i32
    %dma_start3A_6 = tpu.memref_slice %arg3[%dma_start3A_4, %dma_start3A_5] : memref<1000000x128xf32, #tpu.memory_space<hbm>> -> memref<1000000x128xf32, #tpu.memory_space<hbm>>
    tpu.enqueue_indirect_dma source(%dma_start3A_6 : memref<1000000x128xf32, #tpu.memory_space<hbm>>) target(%arg6 : memref<128x128xf32, #tpu.memory_space<vmem>>) offsets(%dma_start3A_3 : memref<128xi32, #tpu.memory_space<vmem>>) semaphore(%arg10 : memref<!tpu.dma_semaphore, #tpu.memory_space<semaphore_mem>>)
    %dma_start3A_7 = arith.constant 128 : i32
    %dma_start3A_8 = tpu.memref_slice %arg5[%dma_start3A_7] : memref<25600xi32, #tpu.memory_space<vmem>> -> memref<128xi32, #tpu.memory_space<vmem>>
    %dma_start3A_9 = arith.constant 0 : i32
    %dma_start3A_10 = arith.constant 0 : i32
    %dma_start3A_11 = tpu.memref_slice %arg3[%dma_start3A_9, %dma_start3A_10] : memref<1000000x128xf32, #tpu.memory_space<hbm>> -> memref<1000000x128xf32, #tpu.memory_space<hbm>>
    tpu.enqueue_indirect_dma source(%dma_start3A_11 : memref<1000000x128xf32, #tpu.memory_space<hbm>>) target(%arg7 : memref<128x128xf32, #tpu.memory_space<vmem>>) offsets(%dma_start3A_8 : memref<128xi32, #tpu.memory_space<vmem>>) semaphore(%arg11 : memref<!tpu.dma_semaphore, #tpu.memory_space<semaphore_mem>>)
    %scan3A = arith.constant 0 : i32
    %scan3A_12 = arith.constant 0 : i32
    %scan3A_13 = arith.constant 50 : i32
    %scan3A_14 = arith.addi %scan3A_12, %scan3A_13 : i32
    %scan3A_15 = arith.constant 1 : i32
    scf.for %scan3A_40 = %scan3A_12 to %scan3A_14 step %scan3A_15  : i32 {
      %mul3A_41 = arith.constant 4 : i32
      %mul3A_42 = arith.muli %mul3A_41, %scan3A_40 : i32
      %add3A_43 = arith.constant 0 : i32
      %add3A_44 = arith.addi %mul3A_42, %add3A_43 : i32
      %mul3A_45 = arith.constant 128 : i32
      %mul3A_46 = arith.muli %add3A_44, %mul3A_45 : i32
      %dma_wait3A_47 = tpu.memref_slice %arg5[%mul3A_46] : memref<25600xi32, #tpu.memory_space<vmem>> -> memref<128xi32, #tpu.memory_space<vmem>>
      %dma_wait3A_48 = arith.constant 0 : i32
      %dma_wait3A_49 = arith.constant 0 : i32
      %dma_wait3A_50 = tpu.memref_slice %arg3[%dma_wait3A_48, %dma_wait3A_49] : memref<1000000x128xf32, #tpu.memory_space<hbm>> -> memref<1000000x128xf32, #tpu.memory_space<hbm>>
      tpu.wait_indirect_dma semaphore(%arg10 : memref<!tpu.dma_semaphore, #tpu.memory_space<semaphore_mem>>) src(%dma_wait3A_50 : memref<1000000x128xf32, #tpu.memory_space<hbm>>) dst(%arg6 : memref<128x128xf32, #tpu.memory_space<vmem>>)
      %add3A_51 = arith.constant 2 : i32
      %add3A_52 = arith.addi %add3A_44, %add3A_51 : i32
      %lt3A = arith.constant 200 : i32
      %lt3A_53 = arith.cmpi slt, %add3A_52, %lt3A : i32
      %convert_element_type3A = arith.extui %lt3A_53 : i1 to i32
      %cond3A = arith.constant 0 : i32
      %cond3A_54 = arith.cmpi ne, %convert_element_type3A, %cond3A : i32
      scf.if %cond3A_54 {
        %ge3A = arith.constant 2 : i32
        %ge3A_158 = arith.cmpi sge, %add3A_44, %ge3A : i32
        %convert_element_type3A_159 = arith.extui %ge3A_158 : i1 to i32
        %cond3A_160 = arith.constant 0 : i32
        %cond3A_161 = arith.cmpi ne, %convert_element_type3A_159, %cond3A_160 : i32
        scf.if %cond3A_161 {
          %sub3A = arith.constant 2 : i32
          %sub3A_170 = arith.subi %add3A_44, %sub3A : i32
          %mul3A_171 = arith.constant 128 : i32
          %mul3A_172 = arith.muli %sub3A_170, %mul3A_171 : i32
          %add3A_173 = arith.addi %mul3A_2, %mul3A_172 : i32
          %dma_wait3A_174 = arith.constant 0 : i32
          %dma_wait3A_175 = tpu.memref_slice %arg4[%add3A_173, %dma_wait3A_174] : memref<819200x128xf32, #tpu.memory_space<hbm>> -> memref<128x128xf32, #tpu.memory_space<hbm>>
          %dma_wait3A_176 = arith.constant 0 : i32
          %dma_wait3A_177 = tpu.memref_slice %arg4[%add3A_173, %dma_wait3A_176] : memref<819200x128xf32, #tpu.memory_space<hbm>> -> memref<128x128xf32, #tpu.memory_space<hbm>>
          tpu.wait_dma2 semaphore(%arg16 : memref<!tpu.dma_semaphore, #tpu.memory_space<semaphore_mem>>) src(%arg8 : memref<128x128xf32, #tpu.memory_space<vmem>>) dst(%dma_wait3A_177 : memref<128x128xf32, #tpu.memory_space<hbm>>)
        } else {
        }
        %add3A_162 = arith.constant 2 : i32
        %add3A_163 = arith.addi %add3A_44, %add3A_162 : i32
        %mul3A_164 = arith.constant 128 : i32
        %mul3A_165 = arith.muli %add3A_163, %mul3A_164 : i32
        %dma_start3A_166 = tpu.memref_slice %arg5[%mul3A_165] : memref<25600xi32, #tpu.memory_space<vmem>> -> memref<128xi32, #tpu.memory_space<vmem>>
        %dma_start3A_167 = arith.constant 0 : i32
        %dma_start3A_168 = arith.constant 0 : i32
        %dma_start3A_169 = tpu.memref_slice %arg3[%dma_start3A_167, %dma_start3A_168] : memref<1000000x128xf32, #tpu.memory_space<hbm>> -> memref<1000000x128xf32, #tpu.memory_space<hbm>>
        tpu.enqueue_indirect_dma source(%dma_start3A_169 : memref<1000000x128xf32, #tpu.memory_space<hbm>>) target(%arg8 : memref<128x128xf32, #tpu.memory_space<vmem>>) offsets(%dma_start3A_166 : memref<128xi32, #tpu.memory_space<vmem>>) semaphore(%arg12 : memref<!tpu.dma_semaphore, #tpu.memory_space<semaphore_mem>>)
      } else {
      }
      %scan3A_55 = arith.constant 0 : i32
      %scan3A_56 = arith.constant 0 : i32
      %scan3A_57 = arith.constant 64 : i32
      %scan3A_58 = arith.addi %scan3A_56, %scan3A_57 : i32
      %scan3A_59 = arith.constant 1 : i32
      scf.for %scan3A_158 = %scan3A_56 to %scan3A_58 step %scan3A_59  : i32 {
        %mul3A_159 = arith.constant 2 : i32
        %mul3A_160 = arith.muli %mul3A_159, %scan3A_158 : i32
        %add3A_161 = arith.constant 0 : i32
        %add3A_162 = arith.addi %mul3A_160, %add3A_161 : i32
        %get3A = arith.index_cast %add3A_162 : i32 to index
        %get3A_163 = arith.constant 0 : index
        %get3A_164 = tpu.vector_load %arg6[%get3A, %get3A_163] {strides = array<i32>} : memref<128x128xf32, #tpu.memory_space<vmem>>, vector<1x16xf32>,
        %get3A_165 = vector.shape_cast %get3A_164 : vector<1x16xf32> to vector<16xf32>
        %mul3A_166 = arith.constant 11.3137083 : f32
        %mul3A_167 = vector.broadcast %mul3A_166 : f32 to vector<16xf32>
        %mul3A_168 = arith.mulf %get3A_165, %mul3A_167 : vector<16xf32>
        %mul3A_169 = arith.constant 2 : i32
        %mul3A_170 = arith.muli %mul3A_169, %scan3A_158 : i32
        %add3A_171 = arith.constant 0 : i32
        %add3A_172 = arith.addi %mul3A_170, %add3A_171 : i32
        %swap3A = arith.index_cast %add3A_172 : i32 to index
        %swap3A_173 = arith.constant 0 : index
        %swap3A_174 = tpu.vector_load %arg6[%swap3A, %swap3A_173] {strides = array<i32>} : memref<128x128xf32, #tpu.memory_space<vmem>>, vector<1x16xf32>,
        %swap3A_175 = vector.shape_cast %swap3A_174 : vector<1x16xf32> to vector<16xf32>
        %swap3A_176 = vector.shape_cast %mul3A_168 : vector<16xf32> to vector<1x16xf32>
        tpu.vector_store %arg6[%swap3A, %swap3A_173], %swap3A_176 {strides = array<i32>} : memref<128x128xf32, #tpu.memory_space<vmem>>, vector<1x16xf32>,
        %mul3A_177 = arith.constant 2 : i32
        %mul3A_178 = arith.muli %mul3A_177, %scan3A_158 : i32
        %add3A_179 = arith.constant 0 : i32
        %add3A_180 = arith.addi %mul3A_178, %add3A_179 : i32
        %get3A_181 = arith.index_cast %add3A_180 : i32 to index
        %get3A_182 = arith.constant 16 : index
        %get3A_183 = tpu.vector_load %arg6[%get3A_181, %get3A_182] {strides = array<i32>} : memref<128x128xf32, #tpu.memory_space<vmem>>, vector<1x16xf32>,
        %get3A_184 = vector.shape_cast %get3A_183 : vector<1x16xf32> to vector<16xf32>
        %mul3A_185 = arith.constant 11.3137083 : f32
        %mul3A_186 = vector.broadcast %mul3A_185 : f32 to vector<16xf32>
        %mul3A_187 = arith.mulf %get3A_184, %mul3A_186 : vector<16xf32>
        %mul3A_188 = arith.constant 2 : i32
        %mul3A_189 = arith.muli %mul3A_188, %scan3A_158 : i32
        %add3A_190 = arith.constant 0 : i32
        %add3A_191 = arith.addi %mul3A_189, %add3A_190 : i32
        %swap3A_192 = arith.index_cast %add3A_191 : i32 to index
        %swap3A_193 = arith.constant 16 : index
        %swap3A_194 = tpu.vector_load %arg6[%swap3A_192, %swap3A_193] {strides = array<i32>} : memref<128x128xf32, #tpu.memory_space<vmem>>, vector<1x16xf32>,
        %swap3A_195 = vector.shape_cast %swap3A_194 : vector<1x16xf32> to vector<16xf32>
        %swap3A_196 = vector.shape_cast %mul3A_187 : vector<16xf32> to vector<1x16xf32>
        tpu.vector_store %arg6[%swap3A_192, %swap3A_193], %swap3A_196 {strides = array<i32>} : memref<128x128xf32, #tpu.memory_space<vmem>>, vector<1x16xf32>,
        %mul3A_197 = arith.constant 2 : i32
        %mul3A_198 = arith.muli %mul3A_197, %scan3A_158 : i32
        %add3A_199 = arith.constant 0 : i32
        %add3A_200 = arith.addi %mul3A_198, %add3A_199 : i32
        %get3A_201 = arith.index_cast %add3A_200 : i32 to index
        %get3A_202 = arith.constant 32 : index
        %get3A_203 = tpu.vector_load %arg6[%get3A_201, %get3A_202] {strides = array<i32>} : memref<128x128xf32, #tpu.memory_space<vmem>>, vector<1x16xf32>,
        %get3A_204 = vector.shape_cast %get3A_203 : vector<1x16xf32> to vector<16xf32>
        %mul3A_205 = arith.constant 11.3137083 : f32
        %mul3A_206 = vector.broadcast %mul3A_205 : f32 to vector<16xf32>
        %mul3A_207 = arith.mulf %get3A_204, %mul3A_206 : vector<16xf32>
        %mul3A_208 = arith.constant 2 : i32
        %mul3A_209 = arith.muli %mul3A_208, %scan3A_158 : i32
        %add3A_210 = arith.constant 0 : i32
        %add3A_211 = arith.addi %mul3A_209, %add3A_210 : i32
        %swap3A_212 = arith.index_cast %add3A_211 : i32 to index
        %swap3A_213 = arith.constant 32 : index
        %swap3A_214 = tpu.vector_load %arg6[%swap3A_212, %swap3A_213] {strides = array<i32>} : memref<128x128xf32, #tpu.memory_space<vmem>>, vector<1x16xf32>,
        %swap3A_215 = vector.shape_cast %swap3A_214 : vector<1x16xf32> to vector<16xf32>
        %swap3A_216 = vector.shape_cast %mul3A_207 : vector<16xf32> to vector<1x16xf32>
        tpu.vector_store %arg6[%swap3A_212, %swap3A_213], %swap3A_216 {strides = array<i32>} : memref<128x128xf32, #tpu.memory_space<vmem>>, vector<1x16xf32>,
        %mul3A_217 = arith.constant 2 : i32
        %mul3A_218 = arith.muli %mul3A_217, %scan3A_158 : i32
        %add3A_219 = arith.constant 0 : i32
        %add3A_220 = arith.addi %mul3A_218, %add3A_219 : i32
        %get3A_221 = arith.index_cast %add3A_220 : i32 to index
        %get3A_222 = arith.constant 48 : index
        %get3A_223 = tpu.vector_load %arg6[%get3A_221, %get3A_222] {strides = array<i32>} : memref<128x128xf32, #tpu.memory_space<vmem>>, vector<1x16xf32>,
        %get3A_224 = vector.shape_cast %get3A_223 : vector<1x16xf32> to vector<16xf32>
        %mul3A_225 = arith.constant 11.3137083 : f32
        %mul3A_226 = vector.broadcast %mul3A_225 : f32 to vector<16xf32>
        %mul3A_227 = arith.mulf %get3A_224, %mul3A_226 : vector<16xf32>
        %mul3A_228 = arith.constant 2 : i32
        %mul3A_229 = arith.muli %mul3A_228, %scan3A_158 : i32
        %add3A_230 = arith.constant 0 : i32
        %add3A_231 = arith.addi %mul3A_229, %add3A_230 : i32
        %swap3A_232 = arith.index_cast %add3A_231 : i32 to index
        %swap3A_233 = arith.constant 48 : index
        %swap3A_234 = tpu.vector_load %arg6[%swap3A_232, %swap3A_233] {strides = array<i32>} : memref<128x128xf32, #tpu.memory_space<vmem>>, vector<1x16xf32>,
        %swap3A_235 = vector.shape_cast %swap3A_234 : vector<1x16xf32> to vector<16xf32>
        %swap3A_236 = vector.shape_cast %mul3A_227 : vector<16xf32> to vector<1x16xf32>
        tpu.vector_store %arg6[%swap3A_232, %swap3A_233], %swap3A_236 {strides = array<i32>} : memref<128x128xf32, #tpu.memory_space<vmem>>, vector<1x16xf32>,
        %mul3A_237 = arith.constant 2 : i32
        %mul3A_238 = arith.muli %mul3A_237, %scan3A_158 : i32
        %add3A_239 = arith.constant 0 : i32
        %add3A_240 = arith.addi %mul3A_238, %add3A_239 : i32
        %get3A_241 = arith.index_cast %add3A_240 : i32 to index
        %get3A_242 = arith.constant 64 : index
        %get3A_243 = tpu.vector_load %arg6[%get3A_241, %get3A_242] {strides = array<i32>} : memref<128x128xf32, #tpu.memory_space<vmem>>, vector<1x16xf32>,
        %get3A_244 = vector.shape_cast %get3A_243 : vector<1x16xf32> to vector<16xf32>
        %mul3A_245 = arith.constant 11.3137083 : f32
        %mul3A_246 = vector.broadcast %mul3A_245 : f32 to vector<16xf32>
        %mul3A_247 = arith.mulf %get3A_244, %mul3A_246 : vector<16xf32>
        %mul3A_248 = arith.constant 2 : i32
        %mul3A_249 = arith.muli %mul3A_248, %scan3A_158 : i32
        %add3A_250 = arith.constant 0 : i32
        %add3A_251 = arith.addi %mul3A_249, %add3A_250 : i32
        %swap3A_252 = arith.index_cast %add3A_251 : i32 to index
        %swap3A_253 = arith.constant 64 : index
        %swap3A_254 = tpu.vector_load %arg6[%swap3A_252, %swap3A_253] {strides = array<i32>} : memref<128x128xf32, #tpu.memory_space<vmem>>, vector<1x16xf32>,
        %swap3A_255 = vector.shape_cast %swap3A_254 : vector<1x16xf32> to vector<16xf32>
        %swap3A_256 = vector.shape_cast %mul3A_247 : vector<16xf32> to vector<1x16xf32>
        tpu.vector_store %arg6[%swap3A_252, %swap3A_253], %swap3A_256 {strides = array<i32>} : memref<128x128xf32, #tpu.memory_space<vmem>>, vector<1x16xf32>,
        %mul3A_257 = arith.constant 2 : i32
        %mul3A_258 = arith.muli %mul3A_257, %scan3A_158 : i32
        %add3A_259 = arith.constant 0 : i32
        %add3A_260 = arith.addi %mul3A_258, %add3A_259 : i32
        %get3A_261 = arith.index_cast %add3A_260 : i32 to index
        %get3A_262 = arith.constant 80 : index
        %get3A_263 = tpu.vector_load %arg6[%get3A_261, %get3A_262] {strides = array<i32>} : memref<128x128xf32, #tpu.memory_space<vmem>>, vector<1x16xf32>,
        %get3A_264 = vector.shape_cast %get3A_263 : vector<1x16xf32> to vector<16xf32>
        %mul3A_265 = arith.constant 11.3137083 : f32
        %mul3A_266 = vector.broadcast %mul3A_265 : f32 to vector<16xf32>
        %mul3A_267 = arith.mulf %get3A_264, %mul3A_266 : vector<16xf32>
        %mul3A_268 = arith.constant 2 : i32
        %mul3A_269 = arith.muli %mul3A_268, %scan3A_158 : i32
        %add3A_270 = arith.constant 0 : i32
        %add3A_271 = arith.addi %mul3A_269, %add3A_270 : i32
        %swap3A_272 = arith.index_cast %add3A_271 : i32 to index
        %swap3A_273 = arith.constant 80 : index
        %swap3A_274 = tpu.vector_load %arg6[%swap3A_272, %swap3A_273] {strides = array<i32>} : memref<128x128xf32, #tpu.memory_space<vmem>>, vector<1x16xf32>,
        %swap3A_275 = vector.shape_cast %swap3A_274 : vector<1x16xf32> to vector<16xf32>
        %swap3A_276 = vector.shape_cast %mul3A_267 : vector<16xf32> to vector<1x16xf32>
        tpu.vector_store %arg6[%swap3A_272, %swap3A_273], %swap3A_276 {strides = array<i32>} : memref<128x128xf32, #tpu.memory_space<vmem>>, vector<1x16xf32>,
        %mul3A_277 = arith.constant 2 : i32
        %mul3A_278 = arith.muli %mul3A_277, %scan3A_158 : i32
        %add3A_279 = arith.constant 0 : i32
        %add3A_280 = arith.addi %mul3A_278, %add3A_279 : i32
        %get3A_281 = arith.index_cast %add3A_280 : i32 to index
        %get3A_282 = arith.constant 96 : index
        %get3A_283 = tpu.vector_load %arg6[%get3A_281, %get3A_282] {strides = array<i32>} : memref<128x128xf32, #tpu.memory_space<vmem>>, vector<1x16xf32>,
        %get3A_284 = vector.shape_cast %get3A_283 : vector<1x16xf32> to vector<16xf32>
        %mul3A_285 = arith.constant 11.3137083 : f32
        %mul3A_286 = vector.broadcast %mul3A_285 : f32 to vector<16xf32>
        %mul3A_287 = arith.mulf %get3A_284, %mul3A_286 : vector<16xf32>
        %mul3A_288 = arith.constant 2 : i32
        %mul3A_289 = arith.muli %mul3A_288, %scan3A_158 : i32
        %add3A_290 = arith.constant 0 : i32
        %add3A_291 = arith.addi %mul3A_289, %add3A_290 : i32
        %swap3A_292 = arith.index_cast %add3A_291 : i32 to index
        %swap3A_293 = arith.constant 96 : index
        %swap3A_294 = tpu.vector_load %arg6[%swap3A_292, %swap3A_293] {strides = array<i32>} : memref<128x128xf32, #tpu.memory_space<vmem>>, vector<1x16xf32>,
        %swap3A_295 = vector.shape_cast %swap3A_294 : vector<1x16xf32> to vector<16xf32>
        %swap3A_296 = vector.shape_cast %mul3A_287 : vector<16xf32> to vector<1x16xf32>
        tpu.vector_store %arg6[%swap3A_292, %swap3A_293], %swap3A_296 {strides = array<i32>} : memref<128x128xf32, #tpu.memory_space<vmem>>, vector<1x16xf32>,
        %mul3A_297 = arith.constant 2 : i32
        %mul3A_298 = arith.muli %mul3A_297, %scan3A_158 : i32
        %add3A_299 = arith.constant 0 : i32
        %add3A_300 = arith.addi %mul3A_298, %add3A_299 : i32
        %get3A_301 = arith.index_cast %add3A_300 : i32 to index
        %get3A_302 = arith.constant 112 : index
        %get3A_303 = tpu.vector_load %arg6[%get3A_301, %get3A_302] {strides = array<i32>} : memref<128x128xf32, #tpu.memory_space<vmem>>, vector<1x16xf32>,
        %get3A_304 = vector.shape_cast %get3A_303 : vector<1x16xf32> to vector<16xf32>
        %mul3A_305 = arith.constant 11.3137083 : f32
        %mul3A_306 = vector.broadcast %mul3A_305 : f32 to vector<16xf32>
        %mul3A_307 = arith.mulf %get3A_304, %mul3A_306 : vector<16xf32>
        %mul3A_308 = arith.constant 2 : i32
        %mul3A_309 = arith.muli %mul3A_308, %scan3A_158 : i32
        %add3A_310 = arith.constant 0 : i32
        %add3A_311 = arith.addi %mul3A_309, %add3A_310 : i32
        %swap3A_312 = arith.index_cast %add3A_311 : i32 to index
        %swap3A_313 = arith.constant 112 : index
        %swap3A_314 = tpu.vector_load %arg6[%swap3A_312, %swap3A_313] {strides = array<i32>} : memref<128x128xf32, #tpu.memory_space<vmem>>, vector<1x16xf32>,
        %swap3A_315 = vector.shape_cast %swap3A_314 : vector<1x16xf32> to vector<16xf32>
        %swap3A_316 = vector.shape_cast %mul3A_307 : vector<16xf32> to vector<1x16xf32>
        tpu.vector_store %arg6[%swap3A_312, %swap3A_313], %swap3A_316 {strides = array<i32>} : memref<128x128xf32, #tpu.memory_space<vmem>>, vector<1x16xf32>,
        %mul3A_317 = arith.constant 2 : i32
        %mul3A_318 = arith.muli %mul3A_317, %scan3A_158 : i32
        %add3A_319 = arith.constant 1 : i32
        %add3A_320 = arith.addi %mul3A_318, %add3A_319 : i32
        %get3A_321 = arith.index_cast %add3A_320 : i32 to index
        %get3A_322 = arith.constant 0 : index
        %get3A_323 = tpu.vector_load %arg6[%get3A_321, %get3A_322] {strides = array<i32>} : memref<128x128xf32, #tpu.memory_space<vmem>>, vector<1x16xf32>,
        %get3A_324 = vector.shape_cast %get3A_323 : vector<1x16xf32> to vector<16xf32>
        %mul3A_325 = arith.constant 11.3137083 : f32
        %mul3A_326 = vector.broadcast %mul3A_325 : f32 to vector<16xf32>
        %mul3A_327 = arith.mulf %get3A_324, %mul3A_326 : vector<16xf32>
        %mul3A_328 = arith.constant 2 : i32
        %mul3A_329 = arith.muli %mul3A_328, %scan3A_158 : i32
        %add3A_330 = arith.constant 1 : i32
        %add3A_331 = arith.addi %mul3A_329, %add3A_330 : i32
        %swap3A_332 = arith.index_cast %add3A_331 : i32 to index
        %swap3A_333 = arith.constant 0 : index
        %swap3A_334 = tpu.vector_load %arg6[%swap3A_332, %swap3A_333] {strides = array<i32>} : memref<128x128xf32, #tpu.memory_space<vmem>>, vector<1x16xf32>,
        %swap3A_335 = vector.shape_cast %swap3A_334 : vector<1x16xf32> to vector<16xf32>
        %swap3A_336 = vector.shape_cast %mul3A_327 : vector<16xf32> to vector<1x16xf32>
        tpu.vector_store %arg6[%swap3A_332, %swap3A_333], %swap3A_336 {strides = array<i32>} : memref<128x128xf32, #tpu.memory_space<vmem>>, vector<1x16xf32>,
        %mul3A_337 = arith.constant 2 : i32
        %mul3A_338 = arith.muli %mul3A_337, %scan3A_158 : i32
        %add3A_339 = arith.constant 1 : i32
        %add3A_340 = arith.addi %mul3A_338, %add3A_339 : i32
        %get3A_341 = arith.index_cast %add3A_340 : i32 to index
        %get3A_342 = arith.constant 16 : index
        %get3A_343 = tpu.vector_load %arg6[%get3A_341, %get3A_342] {strides = array<i32>} : memref<128x128xf32, #tpu.memory_space<vmem>>, vector<1x16xf32>,
        %get3A_344 = vector.shape_cast %get3A_343 : vector<1x16xf32> to vector<16xf32>
        %mul3A_345 = arith.constant 11.3137083 : f32
        %mul3A_346 = vector.broadcast %mul3A_345 : f32 to vector<16xf32>
        %mul3A_347 = arith.mulf %get3A_344, %mul3A_346 : vector<16xf32>
        %mul3A_348 = arith.constant 2 : i32
        %mul3A_349 = arith.muli %mul3A_348, %scan3A_158 : i32
        %add3A_350 = arith.constant 1 : i32
        %add3A_351 = arith.addi %mul3A_349, %add3A_350 : i32
        %swap3A_352 = arith.index_cast %add3A_351 : i32 to index
        %swap3A_353 = arith.constant 16 : index
        %swap3A_354 = tpu.vector_load %arg6[%swap3A_352, %swap3A_353] {strides = array<i32>} : memref<128x128xf32, #tpu.memory_space<vmem>>, vector<1x16xf32>,
        %swap3A_355 = vector.shape_cast %swap3A_354 : vector<1x16xf32> to vector<16xf32>
        %swap3A_356 = vector.shape_cast %mul3A_347 : vector<16xf32> to vector<1x16xf32>
        tpu.vector_store %arg6[%swap3A_352, %swap3A_353], %swap3A_356 {strides = array<i32>} : memref<128x128xf32, #tpu.memory_space<vmem>>, vector<1x16xf32>,
        %mul3A_357 = arith.constant 2 : i32
        %mul3A_358 = arith.muli %mul3A_357, %scan3A_158 : i32
        %add3A_359 = arith.constant 1 : i32
        %add3A_360 = arith.addi %mul3A_358, %add3A_359 : i32
        %get3A_361 = arith.index_cast %add3A_360 : i32 to index
        %get3A_362 = arith.constant 32 : index
        %get3A_363 = tpu.vector_load %arg6[%get3A_361, %get3A_362] {strides = array<i32>} : memref<128x128xf32, #tpu.memory_space<vmem>>, vector<1x16xf32>,
        %get3A_364 = vector.shape_cast %get3A_363 : vector<1x16xf32> to vector<16xf32>
        %mul3A_365 = arith.constant 11.3137083 : f32
        %mul3A_366 = vector.broadcast %mul3A_365 : f32 to vector<16xf32>
        %mul3A_367 = arith.mulf %get3A_364, %mul3A_366 : vector<16xf32>
        %mul3A_368 = arith.constant 2 : i32
        %mul3A_369 = arith.muli %mul3A_368, %scan3A_158 : i32
        %add3A_370 = arith.constant 1 : i32
        %add3A_371 = arith.addi %mul3A_369, %add3A_370 : i32
        %swap3A_372 = arith.index_cast %add3A_371 : i32 to index
        %swap3A_373 = arith.constant 32 : index
        %swap3A_374 = tpu.vector_load %arg6[%swap3A_372, %swap3A_373] {strides = array<i32>} : memref<128x128xf32, #tpu.memory_space<vmem>>, vector<1x16xf32>,
        %swap3A_375 = vector.shape_cast %swap3A_374 : vector<1x16xf32> to vector<16xf32>
        %swap3A_376 = vector.shape_cast %mul3A_367 : vector<16xf32> to vector<1x16xf32>
        tpu.vector_store %arg6[%swap3A_372, %swap3A_373], %swap3A_376 {strides = array<i32>} : memref<128x128xf32, #tpu.memory_space<vmem>>, vector<1x16xf32>,
        %mul3A_377 = arith.constant 2 : i32
        %mul3A_378 = arith.muli %mul3A_377, %scan3A_158 : i32
        %add3A_379 = arith.constant 1 : i32
        %add3A_380 = arith.addi %mul3A_378, %add3A_379 : i32
        %get3A_381 = arith.index_cast %add3A_380 : i32 to index
        %get3A_382 = arith.constant 48 : index
        %get3A_383 = tpu.vector_load %arg6[%get3A_381, %get3A_382] {strides = array<i32>} : memref<128x128xf32, #tpu.memory_space<vmem>>, vector<1x16xf32>,
        %get3A_384 = vector.shape_cast %get3A_383 : vector<1x16xf32> to vector<16xf32>
        %mul3A_385 = arith.constant 11.3137083 : f32
        %mul3A_386 = vector.broadcast %mul3A_385 : f32 to vector<16xf32>
        %mul3A_387 = arith.mulf %get3A_384, %mul3A_386 : vector<16xf32>
        %mul3A_388 = arith.constant 2 : i32
        %mul3A_389 = arith.muli %mul3A_388, %scan3A_158 : i32
        %add3A_390 = arith.constant 1 : i32
        %add3A_391 = arith.addi %mul3A_389, %add3A_390 : i32
        %swap3A_392 = arith.index_cast %add3A_391 : i32 to index
        %swap3A_393 = arith.constant 48 : index
        %swap3A_394 = tpu.vector_load %arg6[%swap3A_392, %swap3A_393] {strides = array<i32>} : memref<128x128xf32, #tpu.memory_space<vmem>>, vector<1x16xf32>,
        %swap3A_395 = vector.shape_cast %swap3A_394 : vector<1x16xf32> to vector<16xf32>
        %swap3A_396 = vector.shape_cast %mul3A_387 : vector<16xf32> to vector<1x16xf32>
        tpu.vector_store %arg6[%swap3A_392, %swap3A_393], %swap3A_396 {strides = array<i32>} : memref<128x128xf32, #tpu.memory_space<vmem>>, vector<1x16xf32>,
        %mul3A_397 = arith.constant 2 : i32
        %mul3A_398 = arith.muli %mul3A_397, %scan3A_158 : i32
        %add3A_399 = arith.constant 1 : i32
        %add3A_400 = arith.addi %mul3A_398, %add3A_399 : i32
        %get3A_401 = arith.index_cast %add3A_400 : i32 to index
        %get3A_402 = arith.constant 64 : index
        %get3A_403 = tpu.vector_load %arg6[%get3A_401, %get3A_402] {strides = array<i32>} : memref<128x128xf32, #tpu.memory_space<vmem>>, vector<1x16xf32>,
        %get3A_404 = vector.shape_cast %get3A_403 : vector<1x16xf32> to vector<16xf32>
        %mul3A_405 = arith.constant 11.3137083 : f32
        %mul3A_406 = vector.broadcast %mul3A_405 : f32 to vector<16xf32>
        %mul3A_407 = arith.mulf %get3A_404, %mul3A_406 : vector<16xf32>
        %mul3A_408 = arith.constant 2 : i32
        %mul3A_409 = arith.muli %mul3A_408, %scan3A_158 : i32
        %add3A_410 = arith.constant 1 : i32
        %add3A_411 = arith.addi %mul3A_409, %add3A_410 : i32
        %swap3A_412 = arith.index_cast %add3A_411 : i32 to index
        %swap3A_413 = arith.constant 64 : index
        %swap3A_414 = tpu.vector_load %arg6[%swap3A_412, %swap3A_413] {strides = array<i32>} : memref<128x128xf32, #tpu.memory_space<vmem>>, vector<1x16xf32>,
        %swap3A_415 = vector.shape_cast %swap3A_414 : vector<1x16xf32> to vector<16xf32>
        %swap3A_416 = vector.shape_cast %mul3A_407 : vector<16xf32> to vector<1x16xf32>
        tpu.vector_store %arg6[%swap3A_412, %swap3A_413], %swap3A_416 {strides = array<i32>} : memref<128x128xf32, #tpu.memory_space<vmem>>, vector<1x16xf32>,
        %mul3A_417 = arith.constant 2 : i32
        %mul3A_418 = arith.muli %mul3A_417, %scan3A_158 : i32
        %add3A_419 = arith.constant 1 : i32
        %add3A_420 = arith.addi %mul3A_418, %add3A_419 : i32
        %get3A_421 = arith.index_cast %add3A_420 : i32 to index
        %get3A_422 = arith.constant 80 : index
        %get3A_423 = tpu.vector_load %arg6[%get3A_421, %get3A_422] {strides = array<i32>} : memref<128x128xf32, #tpu.memory_space<vmem>>, vector<1x16xf32>,
        %get3A_424 = vector.shape_cast %get3A_423 : vector<1x16xf32> to vector<16xf32>
        %mul3A_425 = arith.constant 11.3137083 : f32
        %mul3A_426 = vector.broadcast %mul3A_425 : f32 to vector<16xf32>
        %mul3A_427 = arith.mulf %get3A_424, %mul3A_426 : vector<16xf32>
        %mul3A_428 = arith.constant 2 : i32
        %mul3A_429 = arith.muli %mul3A_428, %scan3A_158 : i32
        %add3A_430 = arith.constant 1 : i32
        %add3A_431 = arith.addi %mul3A_429, %add3A_430 : i32
        %swap3A_432 = arith.index_cast %add3A_431 : i32 to index
        %swap3A_433 = arith.constant 80 : index
        %swap3A_434 = tpu.vector_load %arg6[%swap3A_432, %swap3A_433] {strides = array<i32>} : memref<128x128xf32, #tpu.memory_space<vmem>>, vector<1x16xf32>,
        %swap3A_435 = vector.shape_cast %swap3A_434 : vector<1x16xf32> to vector<16xf32>
        %swap3A_436 = vector.shape_cast %mul3A_427 : vector<16xf32> to vector<1x16xf32>
        tpu.vector_store %arg6[%swap3A_432, %swap3A_433], %swap3A_436 {strides = array<i32>} : memref<128x128xf32, #tpu.memory_space<vmem>>, vector<1x16xf32>,
        %mul3A_437 = arith.constant 2 : i32
        %mul3A_438 = arith.muli %mul3A_437, %scan3A_158 : i32
        %add3A_439 = arith.constant 1 : i32
        %add3A_440 = arith.addi %mul3A_438, %add3A_439 : i32
        %get3A_441 = arith.index_cast %add3A_440 : i32 to index
        %get3A_442 = arith.constant 96 : index
        %get3A_443 = tpu.vector_load %arg6[%get3A_441, %get3A_442] {strides = array<i32>} : memref<128x128xf32, #tpu.memory_space<vmem>>, vector<1x16xf32>,
        %get3A_444 = vector.shape_cast %get3A_443 : vector<1x16xf32> to vector<16xf32>
        %mul3A_445 = arith.constant 11.3137083 : f32
        %mul3A_446 = vector.broadcast %mul3A_445 : f32 to vector<16xf32>
        %mul3A_447 = arith.mulf %get3A_444, %mul3A_446 : vector<16xf32>
        %mul3A_448 = arith.constant 2 : i32
        %mul3A_449 = arith.muli %mul3A_448, %scan3A_158 : i32
        %add3A_450 = arith.constant 1 : i32
        %add3A_451 = arith.addi %mul3A_449, %add3A_450 : i32
        %swap3A_452 = arith.index_cast %add3A_451 : i32 to index
        %swap3A_453 = arith.constant 96 : index
        %swap3A_454 = tpu.vector_load %arg6[%swap3A_452, %swap3A_453] {strides = array<i32>} : memref<128x128xf32, #tpu.memory_space<vmem>>, vector<1x16xf32>,
        %swap3A_455 = vector.shape_cast %swap3A_454 : vector<1x16xf32> to vector<16xf32>
        %swap3A_456 = vector.shape_cast %mul3A_447 : vector<16xf32> to vector<1x16xf32>
        tpu.vector_store %arg6[%swap3A_452, %swap3A_453], %swap3A_456 {strides = array<i32>} : memref<128x128xf32, #tpu.memory_space<vmem>>, vector<1x16xf32>,
        %mul3A_457 = arith.constant 2 : i32
        %mul3A_458 = arith.muli %mul3A_457, %scan3A_158 : i32
        %add3A_459 = arith.constant 1 : i32
        %add3A_460 = arith.addi %mul3A_458, %add3A_459 : i32
        %get3A_461 = arith.index_cast %add3A_460 : i32 to index
        %get3A_462 = arith.constant 112 : index
        %get3A_463 = tpu.vector_load %arg6[%get3A_461, %get3A_462] {strides = array<i32>} : memref<128x128xf32, #tpu.memory_space<vmem>>, vector<1x16xf32>,
        %get3A_464 = vector.shape_cast %get3A_463 : vector<1x16xf32> to vector<16xf32>
        %mul3A_465 = arith.constant 11.3137083 : f32
        %mul3A_466 = vector.broadcast %mul3A_465 : f32 to vector<16xf32>
        %mul3A_467 = arith.mulf %get3A_464, %mul3A_466 : vector<16xf32>
        %mul3A_468 = arith.constant 2 : i32
        %mul3A_469 = arith.muli %mul3A_468, %scan3A_158 : i32
        %add3A_470 = arith.constant 1 : i32
        %add3A_471 = arith.addi %mul3A_469, %add3A_470 : i32
        %swap3A_472 = arith.index_cast %add3A_471 : i32 to index
        %swap3A_473 = arith.constant 112 : index
        %swap3A_474 = tpu.vector_load %arg6[%swap3A_472, %swap3A_473] {strides = array<i32>} : memref<128x128xf32, #tpu.memory_space<vmem>>, vector<1x16xf32>,
        %swap3A_475 = vector.shape_cast %swap3A_474 : vector<1x16xf32> to vector<16xf32>
        %swap3A_476 = vector.shape_cast %mul3A_467 : vector<16xf32> to vector<1x16xf32>
        tpu.vector_store %arg6[%swap3A_472, %swap3A_473], %swap3A_476 {strides = array<i32>} : memref<128x128xf32, #tpu.memory_space<vmem>>, vector<1x16xf32>,
      }
      %scan3A_60 = arith.constant 64 : i32
      %mul3A_61 = arith.constant 128 : i32
      %mul3A_62 = arith.muli %add3A_44, %mul3A_61 : i32
      %add3A_63 = arith.addi %mul3A_2, %mul3A_62 : i32
      %dma_start3A_64 = arith.constant 0 : i32
      %dma_start3A_65 = tpu.memref_slice %arg4[%add3A_63, %dma_start3A_64] : memref<819200x128xf32, #tpu.memory_space<hbm>> -> memref<128x128xf32, #tpu.memory_space<hbm>>
      %dma_start3A_66 = arith.constant 0 : i32
      %dma_start3A_67 = tpu.memref_slice %arg4[%add3A_63, %dma_start3A_66] : memref<819200x128xf32, #tpu.memory_space<hbm>> -> memref<128x128xf32, #tpu.memory_space<hbm>>
      tpu.enqueue_dma source(%arg6 : memref<128x128xf32, #tpu.memory_space<vmem>>) target(%dma_start3A_67 : memref<128x128xf32, #tpu.memory_space<hbm>>) target_semaphore(%arg14 : memref<!tpu.dma_semaphore, #tpu.memory_space<semaphore_mem>>)
      %mul3A_68 = arith.constant 4 : i32
      %mul3A_69 = arith.muli %mul3A_68, %scan3A_40 : i32
      %add3A_70 = arith.constant 1 : i32
      %add3A_71 = arith.addi %mul3A_69, %add3A_70 : i32
      %mul3A_72 = arith.constant 128 : i32
      %mul3A_73 = arith.muli %add3A_71, %mul3A_72 : i32
      %dma_wait3A_74 = tpu.memref_slice %arg5[%mul3A_73] : memref<25600xi32, #tpu.memory_space<vmem>> -> memref<128xi32, #tpu.memory_space<vmem>>
      %dma_wait3A_75 = arith.constant 0 : i32
      %dma_wait3A_76 = arith.constant 0 : i32
      %dma_wait3A_77 = tpu.memref_slice %arg3[%dma_wait3A_75, %dma_wait3A_76] : memref<1000000x128xf32, #tpu.memory_space<hbm>> -> memref<1000000x128xf32, #tpu.memory_space<hbm>>
      tpu.wait_indirect_dma semaphore(%arg11 : memref<!tpu.dma_semaphore, #tpu.memory_space<semaphore_mem>>) src(%dma_wait3A_77 : memref<1000000x128xf32, #tpu.memory_space<hbm>>) dst(%arg7 : memref<128x128xf32, #tpu.memory_space<vmem>>)
      %add3A_78 = arith.constant 2 : i32
      %add3A_79 = arith.addi %add3A_71, %add3A_78 : i32
      %lt3A_80 = arith.constant 200 : i32
      %lt3A_81 = arith.cmpi slt, %add3A_79, %lt3A_80 : i32
      %convert_element_type3A_82 = arith.extui %lt3A_81 : i1 to i32
      %cond3A_83 = arith.constant 0 : i32
      %cond3A_84 = arith.cmpi ne, %convert_element_type3A_82, %cond3A_83 : i32
      scf.if %cond3A_84 {
        %ge3A = arith.constant 2 : i32
        %ge3A_158 = arith.cmpi sge, %add3A_71, %ge3A : i32
        %convert_element_type3A_159 = arith.extui %ge3A_158 : i1 to i32
        %cond3A_160 = arith.constant 0 : i32
        %cond3A_161 = arith.cmpi ne, %convert_element_type3A_159, %cond3A_160 : i32
        scf.if %cond3A_161 {
          %sub3A = arith.constant 2 : i32
          %sub3A_170 = arith.subi %add3A_71, %sub3A : i32
          %mul3A_171 = arith.constant 128 : i32
          %mul3A_172 = arith.muli %sub3A_170, %mul3A_171 : i32
          %add3A_173 = arith.addi %mul3A_2, %mul3A_172 : i32
          %dma_wait3A_174 = arith.constant 0 : i32
          %dma_wait3A_175 = tpu.memref_slice %arg4[%add3A_173, %dma_wait3A_174] : memref<819200x128xf32, #tpu.memory_space<hbm>> -> memref<128x128xf32, #tpu.memory_space<hbm>>
          %dma_wait3A_176 = arith.constant 0 : i32
          %dma_wait3A_177 = tpu.memref_slice %arg4[%add3A_173, %dma_wait3A_176] : memref<819200x128xf32, #tpu.memory_space<hbm>> -> memref<128x128xf32, #tpu.memory_space<hbm>>
          tpu.wait_dma2 semaphore(%arg17 : memref<!tpu.dma_semaphore, #tpu.memory_space<semaphore_mem>>) src(%arg9 : memref<128x128xf32, #tpu.memory_space<vmem>>) dst(%dma_wait3A_177 : memref<128x128xf32, #tpu.memory_space<hbm>>)
        } else {
        }
        %add3A_162 = arith.constant 2 : i32
        %add3A_163 = arith.addi %add3A_71, %add3A_162 : i32
        %mul3A_164 = arith.constant 128 : i32
        %mul3A_165 = arith.muli %add3A_163, %mul3A_164 : i32
        %dma_start3A_166 = tpu.memref_slice %arg5[%mul3A_165] : memref<25600xi32, #tpu.memory_space<vmem>> -> memref<128xi32, #tpu.memory_space<vmem>>
        %dma_start3A_167 = arith.constant 0 : i32
        %dma_start3A_168 = arith.constant 0 : i32
        %dma_start3A_169 = tpu.memref_slice %arg3[%dma_start3A_167, %dma_start3A_168] : memref<1000000x128xf32, #tpu.memory_space<hbm>> -> memref<1000000x128xf32, #tpu.memory_space<hbm>>
        tpu.enqueue_indirect_dma source(%dma_start3A_169 : memref<1000000x128xf32, #tpu.memory_space<hbm>>) target(%arg9 : memref<128x128xf32, #tpu.memory_space<vmem>>) offsets(%dma_start3A_166 : memref<128xi32, #tpu.memory_space<vmem>>) semaphore(%arg13 : memref<!tpu.dma_semaphore, #tpu.memory_space<semaphore_mem>>)
      } else {
      }
      %scan3A_85 = arith.constant 0 : i32
      %scan3A_86 = arith.constant 0 : i32
      %scan3A_87 = arith.constant 64 : i32
      %scan3A_88 = arith.addi %scan3A_86, %scan3A_87 : i32
      %scan3A_89 = arith.constant 1 : i32
      scf.for %scan3A_158 = %scan3A_86 to %scan3A_88 step %scan3A_89  : i32 {
        %mul3A_159 = arith.constant 2 : i32
        %mul3A_160 = arith.muli %mul3A_159, %scan3A_158 : i32
        %add3A_161 = arith.constant 0 : i32
        %add3A_162 = arith.addi %mul3A_160, %add3A_161 : i32
        %get3A = arith.index_cast %add3A_162 : i32 to index
        %get3A_163 = arith.constant 0 : index
        %get3A_164 = tpu.vector_load %arg7[%get3A, %get3A_163] {strides = array<i32>} : memref<128x128xf32, #tpu.memory_space<vmem>>, vector<1x16xf32>,
        %get3A_165 = vector.shape_cast %get3A_164 : vector<1x16xf32> to vector<16xf32>
        %mul3A_166 = arith.constant 11.3137083 : f32
        %mul3A_167 = vector.broadcast %mul3A_166 : f32 to vector<16xf32>
        %mul3A_168 = arith.mulf %get3A_165, %mul3A_167 : vector<16xf32>
        %mul3A_169 = arith.constant 2 : i32
        %mul3A_170 = arith.muli %mul3A_169, %scan3A_158 : i32
        %add3A_171 = arith.constant 0 : i32
        %add3A_172 = arith.addi %mul3A_170, %add3A_171 : i32
        %swap3A = arith.index_cast %add3A_172 : i32 to index
        %swap3A_173 = arith.constant 0 : index
        %swap3A_174 = tpu.vector_load %arg7[%swap3A, %swap3A_173] {strides = array<i32>} : memref<128x128xf32, #tpu.memory_space<vmem>>, vector<1x16xf32>,
        %swap3A_175 = vector.shape_cast %swap3A_174 : vector<1x16xf32> to vector<16xf32>
        %swap3A_176 = vector.shape_cast %mul3A_168 : vector<16xf32> to vector<1x16xf32>
        tpu.vector_store %arg7[%swap3A, %swap3A_173], %swap3A_176 {strides = array<i32>} : memref<128x128xf32, #tpu.memory_space<vmem>>, vector<1x16xf32>,
        %mul3A_177 = arith.constant 2 : i32
        %mul3A_178 = arith.muli %mul3A_177, %scan3A_158 : i32
        %add3A_179 = arith.constant 0 : i32
        %add3A_180 = arith.addi %mul3A_178, %add3A_179 : i32
        %get3A_181 = arith.index_cast %add3A_180 : i32 to index
        %get3A_182 = arith.constant 16 : index
        %get3A_183 = tpu.vector_load %arg7[%get3A_181, %get3A_182] {strides = array<i32>} : memref<128x128xf32, #tpu.memory_space<vmem>>, vector<1x16xf32>,
        %get3A_184 = vector.shape_cast %get3A_183 : vector<1x16xf32> to vector<16xf32>
        %mul3A_185 = arith.constant 11.3137083 : f32
        %mul3A_186 = vector.broadcast %mul3A_185 : f32 to vector<16xf32>
        %mul3A_187 = arith.mulf %get3A_184, %mul3A_186 : vector<16xf32>
        %mul3A_188 = arith.constant 2 : i32
        %mul3A_189 = arith.muli %mul3A_188, %scan3A_158 : i32
        %add3A_190 = arith.constant 0 : i32
        %add3A_191 = arith.addi %mul3A_189, %add3A_190 : i32
        %swap3A_192 = arith.index_cast %add3A_191 : i32 to index
        %swap3A_193 = arith.constant 16 : index
        %swap3A_194 = tpu.vector_load %arg7[%swap3A_192, %swap3A_193] {strides = array<i32>} : memref<128x128xf32, #tpu.memory_space<vmem>>, vector<1x16xf32>,
        %swap3A_195 = vector.shape_cast %swap3A_194 : vector<1x16xf32> to vector<16xf32>
        %swap3A_196 = vector.shape_cast %mul3A_187 : vector<16xf32> to vector<1x16xf32>
        tpu.vector_store %arg7[%swap3A_192, %swap3A_193], %swap3A_196 {strides = array<i32>} : memref<128x128xf32, #tpu.memory_space<vmem>>, vector<1x16xf32>,
        %mul3A_197 = arith.constant 2 : i32
        %mul3A_198 = arith.muli %mul3A_197, %scan3A_158 : i32
        %add3A_199 = arith.constant 0 : i32
        %add3A_200 = arith.addi %mul3A_198, %add3A_199 : i32
        %get3A_201 = arith.index_cast %add3A_200 : i32 to index
        %get3A_202 = arith.constant 32 : index
        %get3A_203 = tpu.vector_load %arg7[%get3A_201, %get3A_202] {strides = array<i32>} : memref<128x128xf32, #tpu.memory_space<vmem>>, vector<1x16xf32>,
        %get3A_204 = vector.shape_cast %get3A_203 : vector<1x16xf32> to vector<16xf32>
        %mul3A_205 = arith.constant 11.3137083 : f32
        %mul3A_206 = vector.broadcast %mul3A_205 : f32 to vector<16xf32>
        %mul3A_207 = arith.mulf %get3A_204, %mul3A_206 : vector<16xf32>
        %mul3A_208 = arith.constant 2 : i32
        %mul3A_209 = arith.muli %mul3A_208, %scan3A_158 : i32
        %add3A_210 = arith.constant 0 : i32
        %add3A_211 = arith.addi %mul3A_209, %add3A_210 : i32
        %swap3A_212 = arith.index_cast %add3A_211 : i32 to index
        %swap3A_213 = arith.constant 32 : index
        %swap3A_214 = tpu.vector_load %arg7[%swap3A_212, %swap3A_213] {strides = array<i32>} : memref<128x128xf32, #tpu.memory_space<vmem>>, vector<1x16xf32>,
        %swap3A_215 = vector.shape_cast %swap3A_214 : vector<1x16xf32> to vector<16xf32>
        %swap3A_216 = vector.shape_cast %mul3A_207 : vector<16xf32> to vector<1x16xf32>
        tpu.vector_store %arg7[%swap3A_212, %swap3A_213], %swap3A_216 {strides = array<i32>} : memref<128x128xf32, #tpu.memory_space<vmem>>, vector<1x16xf32>,
        %mul3A_217 = arith.constant 2 : i32
        %mul3A_218 = arith.muli %mul3A_217, %scan3A_158 : i32
        %add3A_219 = arith.constant 0 : i32
        %add3A_220 = arith.addi %mul3A_218, %add3A_219 : i32
        %get3A_221 = arith.index_cast %add3A_220 : i32 to index
        %get3A_222 = arith.constant 48 : index
        %get3A_223 = tpu.vector_load %arg7[%get3A_221, %get3A_222] {strides = array<i32>} : memref<128x128xf32, #tpu.memory_space<vmem>>, vector<1x16xf32>,
        %get3A_224 = vector.shape_cast %get3A_223 : vector<1x16xf32> to vector<16xf32>
        %mul3A_225 = arith.constant 11.3137083 : f32
        %mul3A_226 = vector.broadcast %mul3A_225 : f32 to vector<16xf32>
        %mul3A_227 = arith.mulf %get3A_224, %mul3A_226 : vector<16xf32>
        %mul3A_228 = arith.constant 2 : i32
        %mul3A_229 = arith.muli %mul3A_228, %scan3A_158 : i32
        %add3A_230 = arith.constant 0 : i32
        %add3A_231 = arith.addi %mul3A_229, %add3A_230 : i32
        %swap3A_232 = arith.index_cast %add3A_231 : i32 to index
        %swap3A_233 = arith.constant 48 : index
        %swap3A_234 = tpu.vector_load %arg7[%swap3A_232, %swap3A_233] {strides = array<i32>} : memref<128x128xf32, #tpu.memory_space<vmem>>, vector<1x16xf32>,
        %swap3A_235 = vector.shape_cast %swap3A_234 : vector<1x16xf32> to vector<16xf32>
        %swap3A_236 = vector.shape_cast %mul3A_227 : vector<16xf32> to vector<1x16xf32>
        tpu.vector_store %arg7[%swap3A_232, %swap3A_233], %swap3A_236 {strides = array<i32>} : memref<128x128xf32, #tpu.memory_space<vmem>>, vector<1x16xf32>,
        %mul3A_237 = arith.constant 2 : i32
        %mul3A_238 = arith.muli %mul3A_237, %scan3A_158 : i32
        %add3A_239 = arith.constant 0 : i32
        %add3A_240 = arith.addi %mul3A_238, %add3A_239 : i32
        %get3A_241 = arith.index_cast %add3A_240 : i32 to index
        %get3A_242 = arith.constant 64 : index
        %get3A_243 = tpu.vector_load %arg7[%get3A_241, %get3A_242] {strides = array<i32>} : memref<128x128xf32, #tpu.memory_space<vmem>>, vector<1x16xf32>,
        %get3A_244 = vector.shape_cast %get3A_243 : vector<1x16xf32> to vector<16xf32>
        %mul3A_245 = arith.constant 11.3137083 : f32
        %mul3A_246 = vector.broadcast %mul3A_245 : f32 to vector<16xf32>
        %mul3A_247 = arith.mulf %get3A_244, %mul3A_246 : vector<16xf32>
        %mul3A_248 = arith.constant 2 : i32
        %mul3A_249 = arith.muli %mul3A_248, %scan3A_158 : i32
        %add3A_250 = arith.constant 0 : i32
        %add3A_251 = arith.addi %mul3A_249, %add3A_250 : i32
        %swap3A_252 = arith.index_cast %add3A_251 : i32 to index
        %swap3A_253 = arith.constant 64 : index
        %swap3A_254 = tpu.vector_load %arg7[%swap3A_252, %swap3A_253] {strides = array<i32>} : memref<128x128xf32, #tpu.memory_space<vmem>>, vector<1x16xf32>,
        %swap3A_255 = vector.shape_cast %swap3A_254 : vector<1x16xf32> to vector<16xf32>
        %swap3A_256 = vector.shape_cast %mul3A_247 : vector<16xf32> to vector<1x16xf32>
        tpu.vector_store %arg7[%swap3A_252, %swap3A_253], %swap3A_256 {strides = array<i32>} : memref<128x128xf32, #tpu.memory_space<vmem>>, vector<1x16xf32>,
        %mul3A_257 = arith.constant 2 : i32
        %mul3A_258 = arith.muli %mul3A_257, %scan3A_158 : i32
        %add3A_259 = arith.constant 0 : i32
        %add3A_260 = arith.addi %mul3A_258, %add3A_259 : i32
        %get3A_261 = arith.index_cast %add3A_260 : i32 to index
        %get3A_262 = arith.constant 80 : index
        %get3A_263 = tpu.vector_load %arg7[%get3A_261, %get3A_262] {strides = array<i32>} : memref<128x128xf32, #tpu.memory_space<vmem>>, vector<1x16xf32>,
        %get3A_264 = vector.shape_cast %get3A_263 : vector<1x16xf32> to vector<16xf32>
        %mul3A_265 = arith.constant 11.3137083 : f32
        %mul3A_266 = vector.broadcast %mul3A_265 : f32 to vector<16xf32>
        %mul3A_267 = arith.mulf %get3A_264, %mul3A_266 : vector<16xf32>
        %mul3A_268 = arith.constant 2 : i32
        %mul3A_269 = arith.muli %mul3A_268, %scan3A_158 : i32
        %add3A_270 = arith.constant 0 : i32
        %add3A_271 = arith.addi %mul3A_269, %add3A_270 : i32
        %swap3A_272 = arith.index_cast %add3A_271 : i32 to index
        %swap3A_273 = arith.constant 80 : index
        %swap3A_274 = tpu.vector_load %arg7[%swap3A_272, %swap3A_273] {strides = array<i32>} : memref<128x128xf32, #tpu.memory_space<vmem>>, vector<1x16xf32>,
        %swap3A_275 = vector.shape_cast %swap3A_274 : vector<1x16xf32> to vector<16xf32>
        %swap3A_276 = vector.shape_cast %mul3A_267 : vector<16xf32> to vector<1x16xf32>
        tpu.vector_store %arg7[%swap3A_272, %swap3A_273], %swap3A_276 {strides = array<i32>} : memref<128x128xf32, #tpu.memory_space<vmem>>, vector<1x16xf32>,
        %mul3A_277 = arith.constant 2 : i32
        %mul3A_278 = arith.muli %mul3A_277, %scan3A_158 : i32
        %add3A_279 = arith.constant 0 : i32
        %add3A_280 = arith.addi %mul3A_278, %add3A_279 : i32
        %get3A_281 = arith.index_cast %add3A_280 : i32 to index
        %get3A_282 = arith.constant 96 : index
        %get3A_283 = tpu.vector_load %arg7[%get3A_281, %get3A_282] {strides = array<i32>} : memref<128x128xf32, #tpu.memory_space<vmem>>, vector<1x16xf32>,
        %get3A_284 = vector.shape_cast %get3A_283 : vector<1x16xf32> to vector<16xf32>
        %mul3A_285 = arith.constant 11.3137083 : f32
        %mul3A_286 = vector.broadcast %mul3A_285 : f32 to vector<16xf32>
        %mul3A_287 = arith.mulf %get3A_284, %mul3A_286 : vector<16xf32>
        %mul3A_288 = arith.constant 2 : i32
        %mul3A_289 = arith.muli %mul3A_288, %scan3A_158 : i32
        %add3A_290 = arith.constant 0 : i32
        %add3A_291 = arith.addi %mul3A_289, %add3A_290 : i32
        %swap3A_292 = arith.index_cast %add3A_291 : i32 to index
        %swap3A_293 = arith.constant 96 : index
        %swap3A_294 = tpu.vector_load %arg7[%swap3A_292, %swap3A_293] {strides = array<i32>} : memref<128x128xf32, #tpu.memory_space<vmem>>, vector<1x16xf32>,
        %swap3A_295 = vector.shape_cast %swap3A_294 : vector<1x16xf32> to vector<16xf32>
        %swap3A_296 = vector.shape_cast %mul3A_287 : vector<16xf32> to vector<1x16xf32>
        tpu.vector_store %arg7[%swap3A_292, %swap3A_293], %swap3A_296 {strides = array<i32>} : memref<128x128xf32, #tpu.memory_space<vmem>>, vector<1x16xf32>,
        %mul3A_297 = arith.constant 2 : i32
        %mul3A_298 = arith.muli %mul3A_297, %scan3A_158 : i32
        %add3A_299 = arith.constant 0 : i32
        %add3A_300 = arith.addi %mul3A_298, %add3A_299 : i32
        %get3A_301 = arith.index_cast %add3A_300 : i32 to index
        %get3A_302 = arith.constant 112 : index
        %get3A_303 = tpu.vector_load %arg7[%get3A_301, %get3A_302] {strides = array<i32>} : memref<128x128xf32, #tpu.memory_space<vmem>>, vector<1x16xf32>,
        %get3A_304 = vector.shape_cast %get3A_303 : vector<1x16xf32> to vector<16xf32>
        %mul3A_305 = arith.constant 11.3137083 : f32
        %mul3A_306 = vector.broadcast %mul3A_305 : f32 to vector<16xf32>
        %mul3A_307 = arith.mulf %get3A_304, %mul3A_306 : vector<16xf32>
        %mul3A_308 = arith.constant 2 : i32
        %mul3A_309 = arith.muli %mul3A_308, %scan3A_158 : i32
        %add3A_310 = arith.constant 0 : i32
        %add3A_311 = arith.addi %mul3A_309, %add3A_310 : i32
        %swap3A_312 = arith.index_cast %add3A_311 : i32 to index
        %swap3A_313 = arith.constant 112 : index
        %swap3A_314 = tpu.vector_load %arg7[%swap3A_312, %swap3A_313] {strides = array<i32>} : memref<128x128xf32, #tpu.memory_space<vmem>>, vector<1x16xf32>,
        %swap3A_315 = vector.shape_cast %swap3A_314 : vector<1x16xf32> to vector<16xf32>
        %swap3A_316 = vector.shape_cast %mul3A_307 : vector<16xf32> to vector<1x16xf32>
        tpu.vector_store %arg7[%swap3A_312, %swap3A_313], %swap3A_316 {strides = array<i32>} : memref<128x128xf32, #tpu.memory_space<vmem>>, vector<1x16xf32>,
        %mul3A_317 = arith.constant 2 : i32
        %mul3A_318 = arith.muli %mul3A_317, %scan3A_158 : i32
        %add3A_319 = arith.constant 1 : i32
        %add3A_320 = arith.addi %mul3A_318, %add3A_319 : i32
        %get3A_321 = arith.index_cast %add3A_320 : i32 to index
        %get3A_322 = arith.constant 0 : index
        %get3A_323 = tpu.vector_load %arg7[%get3A_321, %get3A_322] {strides = array<i32>} : memref<128x128xf32, #tpu.memory_space<vmem>>, vector<1x16xf32>,
        %get3A_324 = vector.shape_cast %get3A_323 : vector<1x16xf32> to vector<16xf32>
        %mul3A_325 = arith.constant 11.3137083 : f32
        %mul3A_326 = vector.broadcast %mul3A_325 : f32 to vector<16xf32>
        %mul3A_327 = arith.mulf %get3A_324, %mul3A_326 : vector<16xf32>
        %mul3A_328 = arith.constant 2 : i32
        %mul3A_329 = arith.muli %mul3A_328, %scan3A_158 : i32
        %add3A_330 = arith.constant 1 : i32
        %add3A_331 = arith.addi %mul3A_329, %add3A_330 : i32
        %swap3A_332 = arith.index_cast %add3A_331 : i32 to index
        %swap3A_333 = arith.constant 0 : index
        %swap3A_334 = tpu.vector_load %arg7[%swap3A_332, %swap3A_333] {strides = array<i32>} : memref<128x128xf32, #tpu.memory_space<vmem>>, vector<1x16xf32>,
        %swap3A_335 = vector.shape_cast %swap3A_334 : vector<1x16xf32> to vector<16xf32>
        %swap3A_336 = vector.shape_cast %mul3A_327 : vector<16xf32> to vector<1x16xf32>
        tpu.vector_store %arg7[%swap3A_332, %swap3A_333], %swap3A_336 {strides = array<i32>} : memref<128x128xf32, #tpu.memory_space<vmem>>, vector<1x16xf32>,
        %mul3A_337 = arith.constant 2 : i32
        %mul3A_338 = arith.muli %mul3A_337, %scan3A_158 : i32
        %add3A_339 = arith.constant 1 : i32
        %add3A_340 = arith.addi %mul3A_338, %add3A_339 : i32
        %get3A_341 = arith.index_cast %add3A_340 : i32 to index
        %get3A_342 = arith.constant 16 : index
        %get3A_343 = tpu.vector_load %arg7[%get3A_341, %get3A_342] {strides = array<i32>} : memref<128x128xf32, #tpu.memory_space<vmem>>, vector<1x16xf32>,
        %get3A_344 = vector.shape_cast %get3A_343 : vector<1x16xf32> to vector<16xf32>
        %mul3A_345 = arith.constant 11.3137083 : f32
        %mul3A_346 = vector.broadcast %mul3A_345 : f32 to vector<16xf32>
        %mul3A_347 = arith.mulf %get3A_344, %mul3A_346 : vector<16xf32>
        %mul3A_348 = arith.constant 2 : i32
        %mul3A_349 = arith.muli %mul3A_348, %scan3A_158 : i32
        %add3A_350 = arith.constant 1 : i32
        %add3A_351 = arith.addi %mul3A_349, %add3A_350 : i32
        %swap3A_352 = arith.index_cast %add3A_351 : i32 to index
        %swap3A_353 = arith.constant 16 : index
        %swap3A_354 = tpu.vector_load %arg7[%swap3A_352, %swap3A_353] {strides = array<i32>} : memref<128x128xf32, #tpu.memory_space<vmem>>, vector<1x16xf32>,
        %swap3A_355 = vector.shape_cast %swap3A_354 : vector<1x16xf32> to vector<16xf32>
        %swap3A_356 = vector.shape_cast %mul3A_347 : vector<16xf32> to vector<1x16xf32>
        tpu.vector_store %arg7[%swap3A_352, %swap3A_353], %swap3A_356 {strides = array<i32>} : memref<128x128xf32, #tpu.memory_space<vmem>>, vector<1x16xf32>,
        %mul3A_357 = arith.constant 2 : i32
        %mul3A_358 = arith.muli %mul3A_357, %scan3A_158 : i32
        %add3A_359 = arith.constant 1 : i32
        %add3A_360 = arith.addi %mul3A_358, %add3A_359 : i32
        %get3A_361 = arith.index_cast %add3A_360 : i32 to index
        %get3A_362 = arith.constant 32 : index
        %get3A_363 = tpu.vector_load %arg7[%get3A_361, %get3A_362] {strides = array<i32>} : memref<128x128xf32, #tpu.memory_space<vmem>>, vector<1x16xf32>,
        %get3A_364 = vector.shape_cast %get3A_363 : vector<1x16xf32> to vector<16xf32>
        %mul3A_365 = arith.constant 11.3137083 : f32
        %mul3A_366 = vector.broadcast %mul3A_365 : f32 to vector<16xf32>
        %mul3A_367 = arith.mulf %get3A_364, %mul3A_366 : vector<16xf32>
        %mul3A_368 = arith.constant 2 : i32
        %mul3A_369 = arith.muli %mul3A_368, %scan3A_158 : i32
        %add3A_370 = arith.constant 1 : i32
        %add3A_371 = arith.addi %mul3A_369, %add3A_370 : i32
        %swap3A_372 = arith.index_cast %add3A_371 : i32 to index
        %swap3A_373 = arith.constant 32 : index
        %swap3A_374 = tpu.vector_load %arg7[%swap3A_372, %swap3A_373] {strides = array<i32>} : memref<128x128xf32, #tpu.memory_space<vmem>>, vector<1x16xf32>,
        %swap3A_375 = vector.shape_cast %swap3A_374 : vector<1x16xf32> to vector<16xf32>
        %swap3A_376 = vector.shape_cast %mul3A_367 : vector<16xf32> to vector<1x16xf32>
        tpu.vector_store %arg7[%swap3A_372, %swap3A_373], %swap3A_376 {strides = array<i32>} : memref<128x128xf32, #tpu.memory_space<vmem>>, vector<1x16xf32>,
        %mul3A_377 = arith.constant 2 : i32
        %mul3A_378 = arith.muli %mul3A_377, %scan3A_158 : i32
        %add3A_379 = arith.constant 1 : i32
        %add3A_380 = arith.addi %mul3A_378, %add3A_379 : i32
        %get3A_381 = arith.index_cast %add3A_380 : i32 to index
        %get3A_382 = arith.constant 48 : index
        %get3A_383 = tpu.vector_load %arg7[%get3A_381, %get3A_382] {strides = array<i32>} : memref<128x128xf32, #tpu.memory_space<vmem>>, vector<1x16xf32>,
        %get3A_384 = vector.shape_cast %get3A_383 : vector<1x16xf32> to vector<16xf32>
        %mul3A_385 = arith.constant 11.3137083 : f32
        %mul3A_386 = vector.broadcast %mul3A_385 : f32 to vector<16xf32>
        %mul3A_387 = arith.mulf %get3A_384, %mul3A_386 : vector<16xf32>
        %mul3A_388 = arith.constant 2 : i32
        %mul3A_389 = arith.muli %mul3A_388, %scan3A_158 : i32
        %add3A_390 = arith.constant 1 : i32
        %add3A_391 = arith.addi %mul3A_389, %add3A_390 : i32
        %swap3A_392 = arith.index_cast %add3A_391 : i32 to index
        %swap3A_393 = arith.constant 48 : index
        %swap3A_394 = tpu.vector_load %arg7[%swap3A_392, %swap3A_393] {strides = array<i32>} : memref<128x128xf32, #tpu.memory_space<vmem>>, vector<1x16xf32>,
        %swap3A_395 = vector.shape_cast %swap3A_394 : vector<1x16xf32> to vector<16xf32>
        %swap3A_396 = vector.shape_cast %mul3A_387 : vector<16xf32> to vector<1x16xf32>
        tpu.vector_store %arg7[%swap3A_392, %swap3A_393], %swap3A_396 {strides = array<i32>} : memref<128x128xf32, #tpu.memory_space<vmem>>, vector<1x16xf32>,
        %mul3A_397 = arith.constant 2 : i32
        %mul3A_398 = arith.muli %mul3A_397, %scan3A_158 : i32
        %add3A_399 = arith.constant 1 : i32
        %add3A_400 = arith.addi %mul3A_398, %add3A_399 : i32
        %get3A_401 = arith.index_cast %add3A_400 : i32 to index
        %get3A_402 = arith.constant 64 : index
        %get3A_403 = tpu.vector_load %arg7[%get3A_401, %get3A_402] {strides = array<i32>} : memref<128x128xf32, #tpu.memory_space<vmem>>, vector<1x16xf32>,
        %get3A_404 = vector.shape_cast %get3A_403 : vector<1x16xf32> to vector<16xf32>
        %mul3A_405 = arith.constant 11.3137083 : f32
        %mul3A_406 = vector.broadcast %mul3A_405 : f32 to vector<16xf32>
        %mul3A_407 = arith.mulf %get3A_404, %mul3A_406 : vector<16xf32>
        %mul3A_408 = arith.constant 2 : i32
        %mul3A_409 = arith.muli %mul3A_408, %scan3A_158 : i32
        %add3A_410 = arith.constant 1 : i32
        %add3A_411 = arith.addi %mul3A_409, %add3A_410 : i32
        %swap3A_412 = arith.index_cast %add3A_411 : i32 to index
        %swap3A_413 = arith.constant 64 : index
        %swap3A_414 = tpu.vector_load %arg7[%swap3A_412, %swap3A_413] {strides = array<i32>} : memref<128x128xf32, #tpu.memory_space<vmem>>, vector<1x16xf32>,
        %swap3A_415 = vector.shape_cast %swap3A_414 : vector<1x16xf32> to vector<16xf32>
        %swap3A_416 = vector.shape_cast %mul3A_407 : vector<16xf32> to vector<1x16xf32>
        tpu.vector_store %arg7[%swap3A_412, %swap3A_413], %swap3A_416 {strides = array<i32>} : memref<128x128xf32, #tpu.memory_space<vmem>>, vector<1x16xf32>,
        %mul3A_417 = arith.constant 2 : i32
        %mul3A_418 = arith.muli %mul3A_417, %scan3A_158 : i32
        %add3A_419 = arith.constant 1 : i32
        %add3A_420 = arith.addi %mul3A_418, %add3A_419 : i32
        %get3A_421 = arith.index_cast %add3A_420 : i32 to index
        %get3A_422 = arith.constant 80 : index
        %get3A_423 = tpu.vector_load %arg7[%get3A_421, %get3A_422] {strides = array<i32>} : memref<128x128xf32, #tpu.memory_space<vmem>>, vector<1x16xf32>,
        %get3A_424 = vector.shape_cast %get3A_423 : vector<1x16xf32> to vector<16xf32>
        %mul3A_425 = arith.constant 11.3137083 : f32
        %mul3A_426 = vector.broadcast %mul3A_425 : f32 to vector<16xf32>
        %mul3A_427 = arith.mulf %get3A_424, %mul3A_426 : vector<16xf32>
        %mul3A_428 = arith.constant 2 : i32
        %mul3A_429 = arith.muli %mul3A_428, %scan3A_158 : i32
        %add3A_430 = arith.constant 1 : i32
        %add3A_431 = arith.addi %mul3A_429, %add3A_430 : i32
        %swap3A_432 = arith.index_cast %add3A_431 : i32 to index
        %swap3A_433 = arith.constant 80 : index
        %swap3A_434 = tpu.vector_load %arg7[%swap3A_432, %swap3A_433] {strides = array<i32>} : memref<128x128xf32, #tpu.memory_space<vmem>>, vector<1x16xf32>,
        %swap3A_435 = vector.shape_cast %swap3A_434 : vector<1x16xf32> to vector<16xf32>
        %swap3A_436 = vector.shape_cast %mul3A_427 : vector<16xf32> to vector<1x16xf32>
        tpu.vector_store %arg7[%swap3A_432, %swap3A_433], %swap3A_436 {strides = array<i32>} : memref<128x128xf32, #tpu.memory_space<vmem>>, vector<1x16xf32>,
        %mul3A_437 = arith.constant 2 : i32
        %mul3A_438 = arith.muli %mul3A_437, %scan3A_158 : i32
        %add3A_439 = arith.constant 1 : i32
        %add3A_440 = arith.addi %mul3A_438, %add3A_439 : i32
        %get3A_441 = arith.index_cast %add3A_440 : i32 to index
        %get3A_442 = arith.constant 96 : index
        %get3A_443 = tpu.vector_load %arg7[%get3A_441, %get3A_442] {strides = array<i32>} : memref<128x128xf32, #tpu.memory_space<vmem>>, vector<1x16xf32>,
        %get3A_444 = vector.shape_cast %get3A_443 : vector<1x16xf32> to vector<16xf32>
        %mul3A_445 = arith.constant 11.3137083 : f32
        %mul3A_446 = vector.broadcast %mul3A_445 : f32 to vector<16xf32>
        %mul3A_447 = arith.mulf %get3A_444, %mul3A_446 : vector<16xf32>
        %mul3A_448 = arith.constant 2 : i32
        %mul3A_449 = arith.muli %mul3A_448, %scan3A_158 : i32
        %add3A_450 = arith.constant 1 : i32
        %add3A_451 = arith.addi %mul3A_449, %add3A_450 : i32
        %swap3A_452 = arith.index_cast %add3A_451 : i32 to index
        %swap3A_453 = arith.constant 96 : index
        %swap3A_454 = tpu.vector_load %arg7[%swap3A_452, %swap3A_453] {strides = array<i32>} : memref<128x128xf32, #tpu.memory_space<vmem>>, vector<1x16xf32>,
        %swap3A_455 = vector.shape_cast %swap3A_454 : vector<1x16xf32> to vector<16xf32>
        %swap3A_456 = vector.shape_cast %mul3A_447 : vector<16xf32> to vector<1x16xf32>
        tpu.vector_store %arg7[%swap3A_452, %swap3A_453], %swap3A_456 {strides = array<i32>} : memref<128x128xf32, #tpu.memory_space<vmem>>, vector<1x16xf32>,
        %mul3A_457 = arith.constant 2 : i32
        %mul3A_458 = arith.muli %mul3A_457, %scan3A_158 : i32
        %add3A_459 = arith.constant 1 : i32
        %add3A_460 = arith.addi %mul3A_458, %add3A_459 : i32
        %get3A_461 = arith.index_cast %add3A_460 : i32 to index
        %get3A_462 = arith.constant 112 : index
        %get3A_463 = tpu.vector_load %arg7[%get3A_461, %get3A_462] {strides = array<i32>} : memref<128x128xf32, #tpu.memory_space<vmem>>, vector<1x16xf32>,
        %get3A_464 = vector.shape_cast %get3A_463 : vector<1x16xf32> to vector<16xf32>
        %mul3A_465 = arith.constant 11.3137083 : f32
        %mul3A_466 = vector.broadcast %mul3A_465 : f32 to vector<16xf32>
        %mul3A_467 = arith.mulf %get3A_464, %mul3A_466 : vector<16xf32>
        %mul3A_468 = arith.constant 2 : i32
        %mul3A_469 = arith.muli %mul3A_468, %scan3A_158 : i32
        %add3A_470 = arith.constant 1 : i32
        %add3A_471 = arith.addi %mul3A_469, %add3A_470 : i32
        %swap3A_472 = arith.index_cast %add3A_471 : i32 to index
        %swap3A_473 = arith.constant 112 : index
        %swap3A_474 = tpu.vector_load %arg7[%swap3A_472, %swap3A_473] {strides = array<i32>} : memref<128x128xf32, #tpu.memory_space<vmem>>, vector<1x16xf32>,
        %swap3A_475 = vector.shape_cast %swap3A_474 : vector<1x16xf32> to vector<16xf32>
        %swap3A_476 = vector.shape_cast %mul3A_467 : vector<16xf32> to vector<1x16xf32>
        tpu.vector_store %arg7[%swap3A_472, %swap3A_473], %swap3A_476 {strides = array<i32>} : memref<128x128xf32, #tpu.memory_space<vmem>>, vector<1x16xf32>,
      }
      %scan3A_90 = arith.constant 64 : i32
      %mul3A_91 = arith.constant 128 : i32
      %mul3A_92 = arith.muli %add3A_71, %mul3A_91 : i32
      %add3A_93 = arith.addi %mul3A_2, %mul3A_92 : i32
      %dma_start3A_94 = arith.constant 0 : i32
      %dma_start3A_95 = tpu.memref_slice %arg4[%add3A_93, %dma_start3A_94] : memref<819200x128xf32, #tpu.memory_space<hbm>> -> memref<128x128xf32, #tpu.memory_space<hbm>>
      %dma_start3A_96 = arith.constant 0 : i32
      %dma_start3A_97 = tpu.memref_slice %arg4[%add3A_93, %dma_start3A_96] : memref<819200x128xf32, #tpu.memory_space<hbm>> -> memref<128x128xf32, #tpu.memory_space<hbm>>
      tpu.enqueue_dma source(%arg7 : memref<128x128xf32, #tpu.memory_space<vmem>>) target(%dma_start3A_97 : memref<128x128xf32, #tpu.memory_space<hbm>>) target_semaphore(%arg15 : memref<!tpu.dma_semaphore, #tpu.memory_space<semaphore_mem>>)
      %mul3A_98 = arith.constant 4 : i32
      %mul3A_99 = arith.muli %mul3A_98, %scan3A_40 : i32
      %add3A_100 = arith.constant 2 : i32
      %add3A_101 = arith.addi %mul3A_99, %add3A_100 : i32
      %mul3A_102 = arith.constant 128 : i32
      %mul3A_103 = arith.muli %add3A_101, %mul3A_102 : i32
      %dma_wait3A_104 = tpu.memref_slice %arg5[%mul3A_103] : memref<25600xi32, #tpu.memory_space<vmem>> -> memref<128xi32, #tpu.memory_space<vmem>>
      %dma_wait3A_105 = arith.constant 0 : i32
      %dma_wait3A_106 = arith.constant 0 : i32
      %dma_wait3A_107 = tpu.memref_slice %arg3[%dma_wait3A_105, %dma_wait3A_106] : memref<1000000x128xf32, #tpu.memory_space<hbm>> -> memref<1000000x128xf32, #tpu.memory_space<hbm>>
      tpu.wait_indirect_dma semaphore(%arg12 : memref<!tpu.dma_semaphore, #tpu.memory_space<semaphore_mem>>) src(%dma_wait3A_107 : memref<1000000x128xf32, #tpu.memory_space<hbm>>) dst(%arg8 : memref<128x128xf32, #tpu.memory_space<vmem>>)
      %add3A_108 = arith.constant 2 : i32
      %add3A_109 = arith.addi %add3A_101, %add3A_108 : i32
      %lt3A_110 = arith.constant 200 : i32
      %lt3A_111 = arith.cmpi slt, %add3A_109, %lt3A_110 : i32
      %convert_element_type3A_112 = arith.extui %lt3A_111 : i1 to i32
      %cond3A_113 = arith.constant 0 : i32
      %cond3A_114 = arith.cmpi ne, %convert_element_type3A_112, %cond3A_113 : i32
      scf.if %cond3A_114 {
        %ge3A = arith.constant 2 : i32
        %ge3A_158 = arith.cmpi sge, %add3A_101, %ge3A : i32
        %convert_element_type3A_159 = arith.extui %ge3A_158 : i1 to i32
        %cond3A_160 = arith.constant 0 : i32
        %cond3A_161 = arith.cmpi ne, %convert_element_type3A_159, %cond3A_160 : i32
        scf.if %cond3A_161 {
          %sub3A = arith.constant 2 : i32
          %sub3A_170 = arith.subi %add3A_101, %sub3A : i32
          %mul3A_171 = arith.constant 128 : i32
          %mul3A_172 = arith.muli %sub3A_170, %mul3A_171 : i32
          %add3A_173 = arith.addi %mul3A_2, %mul3A_172 : i32
          %dma_wait3A_174 = arith.constant 0 : i32
          %dma_wait3A_175 = tpu.memref_slice %arg4[%add3A_173, %dma_wait3A_174] : memref<819200x128xf32, #tpu.memory_space<hbm>> -> memref<128x128xf32, #tpu.memory_space<hbm>>
          %dma_wait3A_176 = arith.constant 0 : i32
          %dma_wait3A_177 = tpu.memref_slice %arg4[%add3A_173, %dma_wait3A_176] : memref<819200x128xf32, #tpu.memory_space<hbm>> -> memref<128x128xf32, #tpu.memory_space<hbm>>
          tpu.wait_dma2 semaphore(%arg14 : memref<!tpu.dma_semaphore, #tpu.memory_space<semaphore_mem>>) src(%arg6 : memref<128x128xf32, #tpu.memory_space<vmem>>) dst(%dma_wait3A_177 : memref<128x128xf32, #tpu.memory_space<hbm>>)
        } else {
        }
        %add3A_162 = arith.constant 2 : i32
        %add3A_163 = arith.addi %add3A_101, %add3A_162 : i32
        %mul3A_164 = arith.constant 128 : i32
        %mul3A_165 = arith.muli %add3A_163, %mul3A_164 : i32
        %dma_start3A_166 = tpu.memref_slice %arg5[%mul3A_165] : memref<25600xi32, #tpu.memory_space<vmem>> -> memref<128xi32, #tpu.memory_space<vmem>>
        %dma_start3A_167 = arith.constant 0 : i32
        %dma_start3A_168 = arith.constant 0 : i32
        %dma_start3A_169 = tpu.memref_slice %arg3[%dma_start3A_167, %dma_start3A_168] : memref<1000000x128xf32, #tpu.memory_space<hbm>> -> memref<1000000x128xf32, #tpu.memory_space<hbm>>
        tpu.enqueue_indirect_dma source(%dma_start3A_169 : memref<1000000x128xf32, #tpu.memory_space<hbm>>) target(%arg6 : memref<128x128xf32, #tpu.memory_space<vmem>>) offsets(%dma_start3A_166 : memref<128xi32, #tpu.memory_space<vmem>>) semaphore(%arg10 : memref<!tpu.dma_semaphore, #tpu.memory_space<semaphore_mem>>)
      } else {
      }
      %scan3A_115 = arith.constant 0 : i32
      %scan3A_116 = arith.constant 0 : i32
      %scan3A_117 = arith.constant 64 : i32
      %scan3A_118 = arith.addi %scan3A_116, %scan3A_117 : i32
      %scan3A_119 = arith.constant 1 : i32
      scf.for %scan3A_158 = %scan3A_116 to %scan3A_118 step %scan3A_119  : i32 {
        %mul3A_159 = arith.constant 2 : i32
        %mul3A_160 = arith.muli %mul3A_159, %scan3A_158 : i32
        %add3A_161 = arith.constant 0 : i32
        %add3A_162 = arith.addi %mul3A_160, %add3A_161 : i32
        %get3A = arith.index_cast %add3A_162 : i32 to index
        %get3A_163 = arith.constant 0 : index
        %get3A_164 = tpu.vector_load %arg8[%get3A, %get3A_163] {strides = array<i32>} : memref<128x128xf32, #tpu.memory_space<vmem>>, vector<1x16xf32>,
        %get3A_165 = vector.shape_cast %get3A_164 : vector<1x16xf32> to vector<16xf32>
        %mul3A_166 = arith.constant 11.3137083 : f32
        %mul3A_167 = vector.broadcast %mul3A_166 : f32 to vector<16xf32>
        %mul3A_168 = arith.mulf %get3A_165, %mul3A_167 : vector<16xf32>
        %mul3A_169 = arith.constant 2 : i32
        %mul3A_170 = arith.muli %mul3A_169, %scan3A_158 : i32
        %add3A_171 = arith.constant 0 : i32
        %add3A_172 = arith.addi %mul3A_170, %add3A_171 : i32
        %swap3A = arith.index_cast %add3A_172 : i32 to index
        %swap3A_173 = arith.constant 0 : index
        %swap3A_174 = tpu.vector_load %arg8[%swap3A, %swap3A_173] {strides = array<i32>} : memref<128x128xf32, #tpu.memory_space<vmem>>, vector<1x16xf32>,
        %swap3A_175 = vector.shape_cast %swap3A_174 : vector<1x16xf32> to vector<16xf32>
        %swap3A_176 = vector.shape_cast %mul3A_168 : vector<16xf32> to vector<1x16xf32>
        tpu.vector_store %arg8[%swap3A, %swap3A_173], %swap3A_176 {strides = array<i32>} : memref<128x128xf32, #tpu.memory_space<vmem>>, vector<1x16xf32>,
        %mul3A_177 = arith.constant 2 : i32
        %mul3A_178 = arith.muli %mul3A_177, %scan3A_158 : i32
        %add3A_179 = arith.constant 0 : i32
        %add3A_180 = arith.addi %mul3A_178, %add3A_179 : i32
        %get3A_181 = arith.index_cast %add3A_180 : i32 to index
        %get3A_182 = arith.constant 16 : index
        %get3A_183 = tpu.vector_load %arg8[%get3A_181, %get3A_182] {strides = array<i32>} : memref<128x128xf32, #tpu.memory_space<vmem>>, vector<1x16xf32>,
        %get3A_184 = vector.shape_cast %get3A_183 : vector<1x16xf32> to vector<16xf32>
        %mul3A_185 = arith.constant 11.3137083 : f32
        %mul3A_186 = vector.broadcast %mul3A_185 : f32 to vector<16xf32>
        %mul3A_187 = arith.mulf %get3A_184, %mul3A_186 : vector<16xf32>
        %mul3A_188 = arith.constant 2 : i32
        %mul3A_189 = arith.muli %mul3A_188, %scan3A_158 : i32
        %add3A_190 = arith.constant 0 : i32
        %add3A_191 = arith.addi %mul3A_189, %add3A_190 : i32
        %swap3A_192 = arith.index_cast %add3A_191 : i32 to index
        %swap3A_193 = arith.constant 16 : index
        %swap3A_194 = tpu.vector_load %arg8[%swap3A_192, %swap3A_193] {strides = array<i32>} : memref<128x128xf32, #tpu.memory_space<vmem>>, vector<1x16xf32>,
        %swap3A_195 = vector.shape_cast %swap3A_194 : vector<1x16xf32> to vector<16xf32>
        %swap3A_196 = vector.shape_cast %mul3A_187 : vector<16xf32> to vector<1x16xf32>
        tpu.vector_store %arg8[%swap3A_192, %swap3A_193], %swap3A_196 {strides = array<i32>} : memref<128x128xf32, #tpu.memory_space<vmem>>, vector<1x16xf32>,
        %mul3A_197 = arith.constant 2 : i32
        %mul3A_198 = arith.muli %mul3A_197, %scan3A_158 : i32
        %add3A_199 = arith.constant 0 : i32
        %add3A_200 = arith.addi %mul3A_198, %add3A_199 : i32
        %get3A_201 = arith.index_cast %add3A_200 : i32 to index
        %get3A_202 = arith.constant 32 : index
        %get3A_203 = tpu.vector_load %arg8[%get3A_201, %get3A_202] {strides = array<i32>} : memref<128x128xf32, #tpu.memory_space<vmem>>, vector<1x16xf32>,
        %get3A_204 = vector.shape_cast %get3A_203 : vector<1x16xf32> to vector<16xf32>
        %mul3A_205 = arith.constant 11.3137083 : f32
        %mul3A_206 = vector.broadcast %mul3A_205 : f32 to vector<16xf32>
        %mul3A_207 = arith.mulf %get3A_204, %mul3A_206 : vector<16xf32>
        %mul3A_208 = arith.constant 2 : i32
        %mul3A_209 = arith.muli %mul3A_208, %scan3A_158 : i32
        %add3A_210 = arith.constant 0 : i32
        %add3A_211 = arith.addi %mul3A_209, %add3A_210 : i32
        %swap3A_212 = arith.index_cast %add3A_211 : i32 to index
        %swap3A_213 = arith.constant 32 : index
        %swap3A_214 = tpu.vector_load %arg8[%swap3A_212, %swap3A_213] {strides = array<i32>} : memref<128x128xf32, #tpu.memory_space<vmem>>, vector<1x16xf32>,
        %swap3A_215 = vector.shape_cast %swap3A_214 : vector<1x16xf32> to vector<16xf32>
        %swap3A_216 = vector.shape_cast %mul3A_207 : vector<16xf32> to vector<1x16xf32>
        tpu.vector_store %arg8[%swap3A_212, %swap3A_213], %swap3A_216 {strides = array<i32>} : memref<128x128xf32, #tpu.memory_space<vmem>>, vector<1x16xf32>,
        %mul3A_217 = arith.constant 2 : i32
        %mul3A_218 = arith.muli %mul3A_217, %scan3A_158 : i32
        %add3A_219 = arith.constant 0 : i32
        %add3A_220 = arith.addi %mul3A_218, %add3A_219 : i32
        %get3A_221 = arith.index_cast %add3A_220 : i32 to index
        %get3A_222 = arith.constant 48 : index
        %get3A_223 = tpu.vector_load %arg8[%get3A_221, %get3A_222] {strides = array<i32>} : memref<128x128xf32, #tpu.memory_space<vmem>>, vector<1x16xf32>,
        %get3A_224 = vector.shape_cast %get3A_223 : vector<1x16xf32> to vector<16xf32>
        %mul3A_225 = arith.constant 11.3137083 : f32
        %mul3A_226 = vector.broadcast %mul3A_225 : f32 to vector<16xf32>
        %mul3A_227 = arith.mulf %get3A_224, %mul3A_226 : vector<16xf32>
        %mul3A_228 = arith.constant 2 : i32
        %mul3A_229 = arith.muli %mul3A_228, %scan3A_158 : i32
        %add3A_230 = arith.constant 0 : i32
        %add3A_231 = arith.addi %mul3A_229, %add3A_230 : i32
        %swap3A_232 = arith.index_cast %add3A_231 : i32 to index
        %swap3A_233 = arith.constant 48 : index
        %swap3A_234 = tpu.vector_load %arg8[%swap3A_232, %swap3A_233] {strides = array<i32>} : memref<128x128xf32, #tpu.memory_space<vmem>>, vector<1x16xf32>,
        %swap3A_235 = vector.shape_cast %swap3A_234 : vector<1x16xf32> to vector<16xf32>
        %swap3A_236 = vector.shape_cast %mul3A_227 : vector<16xf32> to vector<1x16xf32>
        tpu.vector_store %arg8[%swap3A_232, %swap3A_233], %swap3A_236 {strides = array<i32>} : memref<128x128xf32, #tpu.memory_space<vmem>>, vector<1x16xf32>,
        %mul3A_237 = arith.constant 2 : i32
        %mul3A_238 = arith.muli %mul3A_237, %scan3A_158 : i32
        %add3A_239 = arith.constant 0 : i32
        %add3A_240 = arith.addi %mul3A_238, %add3A_239 : i32
        %get3A_241 = arith.index_cast %add3A_240 : i32 to index
        %get3A_242 = arith.constant 64 : index
        %get3A_243 = tpu.vector_load %arg8[%get3A_241, %get3A_242] {strides = array<i32>} : memref<128x128xf32, #tpu.memory_space<vmem>>, vector<1x16xf32>,
        %get3A_244 = vector.shape_cast %get3A_243 : vector<1x16xf32> to vector<16xf32>
        %mul3A_245 = arith.constant 11.3137083 : f32
        %mul3A_246 = vector.broadcast %mul3A_245 : f32 to vector<16xf32>
        %mul3A_247 = arith.mulf %get3A_244, %mul3A_246 : vector<16xf32>
        %mul3A_248 = arith.constant 2 : i32
        %mul3A_249 = arith.muli %mul3A_248, %scan3A_158 : i32
        %add3A_250 = arith.constant 0 : i32
        %add3A_251 = arith.addi %mul3A_249, %add3A_250 : i32
        %swap3A_252 = arith.index_cast %add3A_251 : i32 to index
        %swap3A_253 = arith.constant 64 : index
        %swap3A_254 = tpu.vector_load %arg8[%swap3A_252, %swap3A_253] {strides = array<i32>} : memref<128x128xf32, #tpu.memory_space<vmem>>, vector<1x16xf32>,
        %swap3A_255 = vector.shape_cast %swap3A_254 : vector<1x16xf32> to vector<16xf32>
        %swap3A_256 = vector.shape_cast %mul3A_247 : vector<16xf32> to vector<1x16xf32>
        tpu.vector_store %arg8[%swap3A_252, %swap3A_253], %swap3A_256 {strides = array<i32>} : memref<128x128xf32, #tpu.memory_space<vmem>>, vector<1x16xf32>,
        %mul3A_257 = arith.constant 2 : i32
        %mul3A_258 = arith.muli %mul3A_257, %scan3A_158 : i32
        %add3A_259 = arith.constant 0 : i32
        %add3A_260 = arith.addi %mul3A_258, %add3A_259 : i32
        %get3A_261 = arith.index_cast %add3A_260 : i32 to index
        %get3A_262 = arith.constant 80 : index
        %get3A_263 = tpu.vector_load %arg8[%get3A_261, %get3A_262] {strides = array<i32>} : memref<128x128xf32, #tpu.memory_space<vmem>>, vector<1x16xf32>,
        %get3A_264 = vector.shape_cast %get3A_263 : vector<1x16xf32> to vector<16xf32>
        %mul3A_265 = arith.constant 11.3137083 : f32
        %mul3A_266 = vector.broadcast %mul3A_265 : f32 to vector<16xf32>
        %mul3A_267 = arith.mulf %get3A_264, %mul3A_266 : vector<16xf32>
        %mul3A_268 = arith.constant 2 : i32
        %mul3A_269 = arith.muli %mul3A_268, %scan3A_158 : i32
        %add3A_270 = arith.constant 0 : i32
        %add3A_271 = arith.addi %mul3A_269, %add3A_270 : i32
        %swap3A_272 = arith.index_cast %add3A_271 : i32 to index
        %swap3A_273 = arith.constant 80 : index
        %swap3A_274 = tpu.vector_load %arg8[%swap3A_272, %swap3A_273] {strides = array<i32>} : memref<128x128xf32, #tpu.memory_space<vmem>>, vector<1x16xf32>,
        %swap3A_275 = vector.shape_cast %swap3A_274 : vector<1x16xf32> to vector<16xf32>
        %swap3A_276 = vector.shape_cast %mul3A_267 : vector<16xf32> to vector<1x16xf32>
        tpu.vector_store %arg8[%swap3A_272, %swap3A_273], %swap3A_276 {strides = array<i32>} : memref<128x128xf32, #tpu.memory_space<vmem>>, vector<1x16xf32>,
        %mul3A_277 = arith.constant 2 : i32
        %mul3A_278 = arith.muli %mul3A_277, %scan3A_158 : i32
        %add3A_279 = arith.constant 0 : i32
        %add3A_280 = arith.addi %mul3A_278, %add3A_279 : i32
        %get3A_281 = arith.index_cast %add3A_280 : i32 to index
        %get3A_282 = arith.constant 96 : index
        %get3A_283 = tpu.vector_load %arg8[%get3A_281, %get3A_282] {strides = array<i32>} : memref<128x128xf32, #tpu.memory_space<vmem>>, vector<1x16xf32>,
        %get3A_284 = vector.shape_cast %get3A_283 : vector<1x16xf32> to vector<16xf32>
        %mul3A_285 = arith.constant 11.3137083 : f32
        %mul3A_286 = vector.broadcast %mul3A_285 : f32 to vector<16xf32>
        %mul3A_287 = arith.mulf %get3A_284, %mul3A_286 : vector<16xf32>
        %mul3A_288 = arith.constant 2 : i32
        %mul3A_289 = arith.muli %mul3A_288, %scan3A_158 : i32
        %add3A_290 = arith.constant 0 : i32
        %add3A_291 = arith.addi %mul3A_289, %add3A_290 : i32
        %swap3A_292 = arith.index_cast %add3A_291 : i32 to index
        %swap3A_293 = arith.constant 96 : index
        %swap3A_294 = tpu.vector_load %arg8[%swap3A_292, %swap3A_293] {strides = array<i32>} : memref<128x128xf32, #tpu.memory_space<vmem>>, vector<1x16xf32>,
        %swap3A_295 = vector.shape_cast %swap3A_294 : vector<1x16xf32> to vector<16xf32>
        %swap3A_296 = vector.shape_cast %mul3A_287 : vector<16xf32> to vector<1x16xf32>
        tpu.vector_store %arg8[%swap3A_292, %swap3A_293], %swap3A_296 {strides = array<i32>} : memref<128x128xf32, #tpu.memory_space<vmem>>, vector<1x16xf32>,
        %mul3A_297 = arith.constant 2 : i32
        %mul3A_298 = arith.muli %mul3A_297, %scan3A_158 : i32
        %add3A_299 = arith.constant 0 : i32
        %add3A_300 = arith.addi %mul3A_298, %add3A_299 : i32
        %get3A_301 = arith.index_cast %add3A_300 : i32 to index
        %get3A_302 = arith.constant 112 : index
        %get3A_303 = tpu.vector_load %arg8[%get3A_301, %get3A_302] {strides = array<i32>} : memref<128x128xf32, #tpu.memory_space<vmem>>, vector<1x16xf32>,
        %get3A_304 = vector.shape_cast %get3A_303 : vector<1x16xf32> to vector<16xf32>
        %mul3A_305 = arith.constant 11.3137083 : f32
        %mul3A_306 = vector.broadcast %mul3A_305 : f32 to vector<16xf32>
        %mul3A_307 = arith.mulf %get3A_304, %mul3A_306 : vector<16xf32>
        %mul3A_308 = arith.constant 2 : i32
        %mul3A_309 = arith.muli %mul3A_308, %scan3A_158 : i32
        %add3A_310 = arith.constant 0 : i32
        %add3A_311 = arith.addi %mul3A_309, %add3A_310 : i32
        %swap3A_312 = arith.index_cast %add3A_311 : i32 to index
        %swap3A_313 = arith.constant 112 : index
        %swap3A_314 = tpu.vector_load %arg8[%swap3A_312, %swap3A_313] {strides = array<i32>} : memref<128x128xf32, #tpu.memory_space<vmem>>, vector<1x16xf32>,
        %swap3A_315 = vector.shape_cast %swap3A_314 : vector<1x16xf32> to vector<16xf32>
        %swap3A_316 = vector.shape_cast %mul3A_307 : vector<16xf32> to vector<1x16xf32>
        tpu.vector_store %arg8[%swap3A_312, %swap3A_313], %swap3A_316 {strides = array<i32>} : memref<128x128xf32, #tpu.memory_space<vmem>>, vector<1x16xf32>,
        %mul3A_317 = arith.constant 2 : i32
        %mul3A_318 = arith.muli %mul3A_317, %scan3A_158 : i32
        %add3A_319 = arith.constant 1 : i32
        %add3A_320 = arith.addi %mul3A_318, %add3A_319 : i32
        %get3A_321 = arith.index_cast %add3A_320 : i32 to index
        %get3A_322 = arith.constant 0 : index
        %get3A_323 = tpu.vector_load %arg8[%get3A_321, %get3A_322] {strides = array<i32>} : memref<128x128xf32, #tpu.memory_space<vmem>>, vector<1x16xf32>,
        %get3A_324 = vector.shape_cast %get3A_323 : vector<1x16xf32> to vector<16xf32>
        %mul3A_325 = arith.constant 11.3137083 : f32
        %mul3A_326 = vector.broadcast %mul3A_325 : f32 to vector<16xf32>
        %mul3A_327 = arith.mulf %get3A_324, %mul3A_326 : vector<16xf32>
        %mul3A_328 = arith.constant 2 : i32
        %mul3A_329 = arith.muli %mul3A_328, %scan3A_158 : i32
        %add3A_330 = arith.constant 1 : i32
        %add3A_331 = arith.addi %mul3A_329, %add3A_330 : i32
        %swap3A_332 = arith.index_cast %add3A_331 : i32 to index
        %swap3A_333 = arith.constant 0 : index
        %swap3A_334 = tpu.vector_load %arg8[%swap3A_332, %swap3A_333] {strides = array<i32>} : memref<128x128xf32, #tpu.memory_space<vmem>>, vector<1x16xf32>,
        %swap3A_335 = vector.shape_cast %swap3A_334 : vector<1x16xf32> to vector<16xf32>
        %swap3A_336 = vector.shape_cast %mul3A_327 : vector<16xf32> to vector<1x16xf32>
        tpu.vector_store %arg8[%swap3A_332, %swap3A_333], %swap3A_336 {strides = array<i32>} : memref<128x128xf32, #tpu.memory_space<vmem>>, vector<1x16xf32>,
        %mul3A_337 = arith.constant 2 : i32
        %mul3A_338 = arith.muli %mul3A_337, %scan3A_158 : i32
        %add3A_339 = arith.constant 1 : i32
        %add3A_340 = arith.addi %mul3A_338, %add3A_339 : i32
        %get3A_341 = arith.index_cast %add3A_340 : i32 to index
        %get3A_342 = arith.constant 16 : index
        %get3A_343 = tpu.vector_load %arg8[%get3A_341, %get3A_342] {strides = array<i32>} : memref<128x128xf32, #tpu.memory_space<vmem>>, vector<1x16xf32>,
        %get3A_344 = vector.shape_cast %get3A_343 : vector<1x16xf32> to vector<16xf32>
        %mul3A_345 = arith.constant 11.3137083 : f32
        %mul3A_346 = vector.broadcast %mul3A_345 : f32 to vector<16xf32>
        %mul3A_347 = arith.mulf %get3A_344, %mul3A_346 : vector<16xf32>
        %mul3A_348 = arith.constant 2 : i32
        %mul3A_349 = arith.muli %mul3A_348, %scan3A_158 : i32
        %add3A_350 = arith.constant 1 : i32
        %add3A_351 = arith.addi %mul3A_349, %add3A_350 : i32
        %swap3A_352 = arith.index_cast %add3A_351 : i32 to index
        %swap3A_353 = arith.constant 16 : index
        %swap3A_354 = tpu.vector_load %arg8[%swap3A_352, %swap3A_353] {strides = array<i32>} : memref<128x128xf32, #tpu.memory_space<vmem>>, vector<1x16xf32>,
        %swap3A_355 = vector.shape_cast %swap3A_354 : vector<1x16xf32> to vector<16xf32>
        %swap3A_356 = vector.shape_cast %mul3A_347 : vector<16xf32> to vector<1x16xf32>
        tpu.vector_store %arg8[%swap3A_352, %swap3A_353], %swap3A_356 {strides = array<i32>} : memref<128x128xf32, #tpu.memory_space<vmem>>, vector<1x16xf32>,
        %mul3A_357 = arith.constant 2 : i32
        %mul3A_358 = arith.muli %mul3A_357, %scan3A_158 : i32
        %add3A_359 = arith.constant 1 : i32
        %add3A_360 = arith.addi %mul3A_358, %add3A_359 : i32
        %get3A_361 = arith.index_cast %add3A_360 : i32 to index
        %get3A_362 = arith.constant 32 : index
        %get3A_363 = tpu.vector_load %arg8[%get3A_361, %get3A_362] {strides = array<i32>} : memref<128x128xf32, #tpu.memory_space<vmem>>, vector<1x16xf32>,
        %get3A_364 = vector.shape_cast %get3A_363 : vector<1x16xf32> to vector<16xf32>
        %mul3A_365 = arith.constant 11.3137083 : f32
        %mul3A_366 = vector.broadcast %mul3A_365 : f32 to vector<16xf32>
        %mul3A_367 = arith.mulf %get3A_364, %mul3A_366 : vector<16xf32>
        %mul3A_368 = arith.constant 2 : i32
        %mul3A_369 = arith.muli %mul3A_368, %scan3A_158 : i32
        %add3A_370 = arith.constant 1 : i32
        %add3A_371 = arith.addi %mul3A_369, %add3A_370 : i32
        %swap3A_372 = arith.index_cast %add3A_371 : i32 to index
        %swap3A_373 = arith.constant 32 : index
        %swap3A_374 = tpu.vector_load %arg8[%swap3A_372, %swap3A_373] {strides = array<i32>} : memref<128x128xf32, #tpu.memory_space<vmem>>, vector<1x16xf32>,
        %swap3A_375 = vector.shape_cast %swap3A_374 : vector<1x16xf32> to vector<16xf32>
        %swap3A_376 = vector.shape_cast %mul3A_367 : vector<16xf32> to vector<1x16xf32>
        tpu.vector_store %arg8[%swap3A_372, %swap3A_373], %swap3A_376 {strides = array<i32>} : memref<128x128xf32, #tpu.memory_space<vmem>>, vector<1x16xf32>,
        %mul3A_377 = arith.constant 2 : i32
        %mul3A_378 = arith.muli %mul3A_377, %scan3A_158 : i32
        %add3A_379 = arith.constant 1 : i32
        %add3A_380 = arith.addi %mul3A_378, %add3A_379 : i32
        %get3A_381 = arith.index_cast %add3A_380 : i32 to index
        %get3A_382 = arith.constant 48 : index
        %get3A_383 = tpu.vector_load %arg8[%get3A_381, %get3A_382] {strides = array<i32>} : memref<128x128xf32, #tpu.memory_space<vmem>>, vector<1x16xf32>,
        %get3A_384 = vector.shape_cast %get3A_383 : vector<1x16xf32> to vector<16xf32>
        %mul3A_385 = arith.constant 11.3137083 : f32
        %mul3A_386 = vector.broadcast %mul3A_385 : f32 to vector<16xf32>
        %mul3A_387 = arith.mulf %get3A_384, %mul3A_386 : vector<16xf32>
        %mul3A_388 = arith.constant 2 : i32
        %mul3A_389 = arith.muli %mul3A_388, %scan3A_158 : i32
        %add3A_390 = arith.constant 1 : i32
        %add3A_391 = arith.addi %mul3A_389, %add3A_390 : i32
        %swap3A_392 = arith.index_cast %add3A_391 : i32 to index
        %swap3A_393 = arith.constant 48 : index
        %swap3A_394 = tpu.vector_load %arg8[%swap3A_392, %swap3A_393] {strides = array<i32>} : memref<128x128xf32, #tpu.memory_space<vmem>>, vector<1x16xf32>,
        %swap3A_395 = vector.shape_cast %swap3A_394 : vector<1x16xf32> to vector<16xf32>
        %swap3A_396 = vector.shape_cast %mul3A_387 : vector<16xf32> to vector<1x16xf32>
        tpu.vector_store %arg8[%swap3A_392, %swap3A_393], %swap3A_396 {strides = array<i32>} : memref<128x128xf32, #tpu.memory_space<vmem>>, vector<1x16xf32>,
        %mul3A_397 = arith.constant 2 : i32
        %mul3A_398 = arith.muli %mul3A_397, %scan3A_158 : i32
        %add3A_399 = arith.constant 1 : i32
        %add3A_400 = arith.addi %mul3A_398, %add3A_399 : i32
        %get3A_401 = arith.index_cast %add3A_400 : i32 to index
        %get3A_402 = arith.constant 64 : index
        %get3A_403 = tpu.vector_load %arg8[%get3A_401, %get3A_402] {strides = array<i32>} : memref<128x128xf32, #tpu.memory_space<vmem>>, vector<1x16xf32>,
        %get3A_404 = vector.shape_cast %get3A_403 : vector<1x16xf32> to vector<16xf32>
        %mul3A_405 = arith.constant 11.3137083 : f32
        %mul3A_406 = vector.broadcast %mul3A_405 : f32 to vector<16xf32>
        %mul3A_407 = arith.mulf %get3A_404, %mul3A_406 : vector<16xf32>
        %mul3A_408 = arith.constant 2 : i32
        %mul3A_409 = arith.muli %mul3A_408, %scan3A_158 : i32
        %add3A_410 = arith.constant 1 : i32
        %add3A_411 = arith.addi %mul3A_409, %add3A_410 : i32
        %swap3A_412 = arith.index_cast %add3A_411 : i32 to index
        %swap3A_413 = arith.constant 64 : index
        %swap3A_414 = tpu.vector_load %arg8[%swap3A_412, %swap3A_413] {strides = array<i32>} : memref<128x128xf32, #tpu.memory_space<vmem>>, vector<1x16xf32>,
        %swap3A_415 = vector.shape_cast %swap3A_414 : vector<1x16xf32> to vector<16xf32>
        %swap3A_416 = vector.shape_cast %mul3A_407 : vector<16xf32> to vector<1x16xf32>
        tpu.vector_store %arg8[%swap3A_412, %swap3A_413], %swap3A_416 {strides = array<i32>} : memref<128x128xf32, #tpu.memory_space<vmem>>, vector<1x16xf32>,
        %mul3A_417 = arith.constant 2 : i32
        %mul3A_418 = arith.muli %mul3A_417, %scan3A_158 : i32
        %add3A_419 = arith.constant 1 : i32
        %add3A_420 = arith.addi %mul3A_418, %add3A_419 : i32
        %get3A_421 = arith.index_cast %add3A_420 : i32 to index
        %get3A_422 = arith.constant 80 : index
        %get3A_423 = tpu.vector_load %arg8[%get3A_421, %get3A_422] {strides = array<i32>} : memref<128x128xf32, #tpu.memory_space<vmem>>, vector<1x16xf32>,
        %get3A_424 = vector.shape_cast %get3A_423 : vector<1x16xf32> to vector<16xf32>
        %mul3A_425 = arith.constant 11.3137083 : f32
        %mul3A_426 = vector.broadcast %mul3A_425 : f32 to vector<16xf32>
        %mul3A_427 = arith.mulf %get3A_424, %mul3A_426 : vector<16xf32>
        %mul3A_428 = arith.constant 2 : i32
        %mul3A_429 = arith.muli %mul3A_428, %scan3A_158 : i32
        %add3A_430 = arith.constant 1 : i32
        %add3A_431 = arith.addi %mul3A_429, %add3A_430 : i32
        %swap3A_432 = arith.index_cast %add3A_431 : i32 to index
        %swap3A_433 = arith.constant 80 : index
        %swap3A_434 = tpu.vector_load %arg8[%swap3A_432, %swap3A_433] {strides = array<i32>} : memref<128x128xf32, #tpu.memory_space<vmem>>, vector<1x16xf32>,
        %swap3A_435 = vector.shape_cast %swap3A_434 : vector<1x16xf32> to vector<16xf32>
        %swap3A_436 = vector.shape_cast %mul3A_427 : vector<16xf32> to vector<1x16xf32>
        tpu.vector_store %arg8[%swap3A_432, %swap3A_433], %swap3A_436 {strides = array<i32>} : memref<128x128xf32, #tpu.memory_space<vmem>>, vector<1x16xf32>,
        %mul3A_437 = arith.constant 2 : i32
        %mul3A_438 = arith.muli %mul3A_437, %scan3A_158 : i32
        %add3A_439 = arith.constant 1 : i32
        %add3A_440 = arith.addi %mul3A_438, %add3A_439 : i32
        %get3A_441 = arith.index_cast %add3A_440 : i32 to index
        %get3A_442 = arith.constant 96 : index
        %get3A_443 = tpu.vector_load %arg8[%get3A_441, %get3A_442] {strides = array<i32>} : memref<128x128xf32, #tpu.memory_space<vmem>>, vector<1x16xf32>,
        %get3A_444 = vector.shape_cast %get3A_443 : vector<1x16xf32> to vector<16xf32>
        %mul3A_445 = arith.constant 11.3137083 : f32
        %mul3A_446 = vector.broadcast %mul3A_445 : f32 to vector<16xf32>
        %mul3A_447 = arith.mulf %get3A_444, %mul3A_446 : vector<16xf32>
        %mul3A_448 = arith.constant 2 : i32
        %mul3A_449 = arith.muli %mul3A_448, %scan3A_158 : i32
        %add3A_450 = arith.constant 1 : i32
        %add3A_451 = arith.addi %mul3A_449, %add3A_450 : i32
        %swap3A_452 = arith.index_cast %add3A_451 : i32 to index
        %swap3A_453 = arith.constant 96 : index
        %swap3A_454 = tpu.vector_load %arg8[%swap3A_452, %swap3A_453] {strides = array<i32>} : memref<128x128xf32, #tpu.memory_space<vmem>>, vector<1x16xf32>,
        %swap3A_455 = vector.shape_cast %swap3A_454 : vector<1x16xf32> to vector<16xf32>
        %swap3A_456 = vector.shape_cast %mul3A_447 : vector<16xf32> to vector<1x16xf32>
        tpu.vector_store %arg8[%swap3A_452, %swap3A_453], %swap3A_456 {strides = array<i32>} : memref<128x128xf32, #tpu.memory_space<vmem>>, vector<1x16xf32>,
        %mul3A_457 = arith.constant 2 : i32
        %mul3A_458 = arith.muli %mul3A_457, %scan3A_158 : i32
        %add3A_459 = arith.constant 1 : i32
        %add3A_460 = arith.addi %mul3A_458, %add3A_459 : i32
        %get3A_461 = arith.index_cast %add3A_460 : i32 to index
        %get3A_462 = arith.constant 112 : index
        %get3A_463 = tpu.vector_load %arg8[%get3A_461, %get3A_462] {strides = array<i32>} : memref<128x128xf32, #tpu.memory_space<vmem>>, vector<1x16xf32>,
        %get3A_464 = vector.shape_cast %get3A_463 : vector<1x16xf32> to vector<16xf32>
        %mul3A_465 = arith.constant 11.3137083 : f32
        %mul3A_466 = vector.broadcast %mul3A_465 : f32 to vector<16xf32>
        %mul3A_467 = arith.mulf %get3A_464, %mul3A_466 : vector<16xf32>
        %mul3A_468 = arith.constant 2 : i32
        %mul3A_469 = arith.muli %mul3A_468, %scan3A_158 : i32
        %add3A_470 = arith.constant 1 : i32
        %add3A_471 = arith.addi %mul3A_469, %add3A_470 : i32
        %swap3A_472 = arith.index_cast %add3A_471 : i32 to index
        %swap3A_473 = arith.constant 112 : index
        %swap3A_474 = tpu.vector_load %arg8[%swap3A_472, %swap3A_473] {strides = array<i32>} : memref<128x128xf32, #tpu.memory_space<vmem>>, vector<1x16xf32>,
        %swap3A_475 = vector.shape_cast %swap3A_474 : vector<1x16xf32> to vector<16xf32>
        %swap3A_476 = vector.shape_cast %mul3A_467 : vector<16xf32> to vector<1x16xf32>
        tpu.vector_store %arg8[%swap3A_472, %swap3A_473], %swap3A_476 {strides = array<i32>} : memref<128x128xf32, #tpu.memory_space<vmem>>, vector<1x16xf32>,
      }
      %scan3A_120 = arith.constant 64 : i32
      %mul3A_121 = arith.constant 128 : i32
      %mul3A_122 = arith.muli %add3A_101, %mul3A_121 : i32
      %add3A_123 = arith.addi %mul3A_2, %mul3A_122 : i32
      %dma_start3A_124 = arith.constant 0 : i32
      %dma_start3A_125 = tpu.memref_slice %arg4[%add3A_123, %dma_start3A_124] : memref<819200x128xf32, #tpu.memory_space<hbm>> -> memref<128x128xf32, #tpu.memory_space<hbm>>
      %dma_start3A_126 = arith.constant 0 : i32
      %dma_start3A_127 = tpu.memref_slice %arg4[%add3A_123, %dma_start3A_126] : memref<819200x128xf32, #tpu.memory_space<hbm>> -> memref<128x128xf32, #tpu.memory_space<hbm>>
      tpu.enqueue_dma source(%arg8 : memref<128x128xf32, #tpu.memory_space<vmem>>) target(%dma_start3A_127 : memref<128x128xf32, #tpu.memory_space<hbm>>) target_semaphore(%arg16 : memref<!tpu.dma_semaphore, #tpu.memory_space<semaphore_mem>>)
      %mul3A_128 = arith.constant 4 : i32
      %mul3A_129 = arith.muli %mul3A_128, %scan3A_40 : i32
      %add3A_130 = arith.constant 3 : i32
      %add3A_131 = arith.addi %mul3A_129, %add3A_130 : i32
      %mul3A_132 = arith.constant 128 : i32
      %mul3A_133 = arith.muli %add3A_131, %mul3A_132 : i32
      %dma_wait3A_134 = tpu.memref_slice %arg5[%mul3A_133] : memref<25600xi32, #tpu.memory_space<vmem>> -> memref<128xi32, #tpu.memory_space<vmem>>
      %dma_wait3A_135 = arith.constant 0 : i32
      %dma_wait3A_136 = arith.constant 0 : i32
      %dma_wait3A_137 = tpu.memref_slice %arg3[%dma_wait3A_135, %dma_wait3A_136] : memref<1000000x128xf32, #tpu.memory_space<hbm>> -> memref<1000000x128xf32, #tpu.memory_space<hbm>>
      tpu.wait_indirect_dma semaphore(%arg13 : memref<!tpu.dma_semaphore, #tpu.memory_space<semaphore_mem>>) src(%dma_wait3A_137 : memref<1000000x128xf32, #tpu.memory_space<hbm>>) dst(%arg9 : memref<128x128xf32, #tpu.memory_space<vmem>>)
      %add3A_138 = arith.constant 2 : i32
      %add3A_139 = arith.addi %add3A_131, %add3A_138 : i32
      %lt3A_140 = arith.constant 200 : i32
      %lt3A_141 = arith.cmpi slt, %add3A_139, %lt3A_140 : i32
      %convert_element_type3A_142 = arith.extui %lt3A_141 : i1 to i32
      %cond3A_143 = arith.constant 0 : i32
      %cond3A_144 = arith.cmpi ne, %convert_element_type3A_142, %cond3A_143 : i32
      scf.if %cond3A_144 {
        %ge3A = arith.constant 2 : i32
        %ge3A_158 = arith.cmpi sge, %add3A_131, %ge3A : i32
        %convert_element_type3A_159 = arith.extui %ge3A_158 : i1 to i32
        %cond3A_160 = arith.constant 0 : i32
        %cond3A_161 = arith.cmpi ne, %convert_element_type3A_159, %cond3A_160 : i32
        scf.if %cond3A_161 {
          %sub3A = arith.constant 2 : i32
          %sub3A_170 = arith.subi %add3A_131, %sub3A : i32
          %mul3A_171 = arith.constant 128 : i32
          %mul3A_172 = arith.muli %sub3A_170, %mul3A_171 : i32
          %add3A_173 = arith.addi %mul3A_2, %mul3A_172 : i32
          %dma_wait3A_174 = arith.constant 0 : i32
          %dma_wait3A_175 = tpu.memref_slice %arg4[%add3A_173, %dma_wait3A_174] : memref<819200x128xf32, #tpu.memory_space<hbm>> -> memref<128x128xf32, #tpu.memory_space<hbm>>
          %dma_wait3A_176 = arith.constant 0 : i32
          %dma_wait3A_177 = tpu.memref_slice %arg4[%add3A_173, %dma_wait3A_176] : memref<819200x128xf32, #tpu.memory_space<hbm>> -> memref<128x128xf32, #tpu.memory_space<hbm>>
          tpu.wait_dma2 semaphore(%arg15 : memref<!tpu.dma_semaphore, #tpu.memory_space<semaphore_mem>>) src(%arg7 : memref<128x128xf32, #tpu.memory_space<vmem>>) dst(%dma_wait3A_177 : memref<128x128xf32, #tpu.memory_space<hbm>>)
        } else {
        }
        %add3A_162 = arith.constant 2 : i32
        %add3A_163 = arith.addi %add3A_131, %add3A_162 : i32
        %mul3A_164 = arith.constant 128 : i32
        %mul3A_165 = arith.muli %add3A_163, %mul3A_164 : i32
        %dma_start3A_166 = tpu.memref_slice %arg5[%mul3A_165] : memref<25600xi32, #tpu.memory_space<vmem>> -> memref<128xi32, #tpu.memory_space<vmem>>
        %dma_start3A_167 = arith.constant 0 : i32
        %dma_start3A_168 = arith.constant 0 : i32
        %dma_start3A_169 = tpu.memref_slice %arg3[%dma_start3A_167, %dma_start3A_168] : memref<1000000x128xf32, #tpu.memory_space<hbm>> -> memref<1000000x128xf32, #tpu.memory_space<hbm>>
        tpu.enqueue_indirect_dma source(%dma_start3A_169 : memref<1000000x128xf32, #tpu.memory_space<hbm>>) target(%arg7 : memref<128x128xf32, #tpu.memory_space<vmem>>) offsets(%dma_start3A_166 : memref<128xi32, #tpu.memory_space<vmem>>) semaphore(%arg11 : memref<!tpu.dma_semaphore, #tpu.memory_space<semaphore_mem>>)
      } else {
      }
      %scan3A_145 = arith.constant 0 : i32
      %scan3A_146 = arith.constant 0 : i32
      %scan3A_147 = arith.constant 64 : i32
      %scan3A_148 = arith.addi %scan3A_146, %scan3A_147 : i32
      %scan3A_149 = arith.constant 1 : i32
      scf.for %scan3A_158 = %scan3A_146 to %scan3A_148 step %scan3A_149  : i32 {
        %mul3A_159 = arith.constant 2 : i32
        %mul3A_160 = arith.muli %mul3A_159, %scan3A_158 : i32
        %add3A_161 = arith.constant 0 : i32
        %add3A_162 = arith.addi %mul3A_160, %add3A_161 : i32
        %get3A = arith.index_cast %add3A_162 : i32 to index
        %get3A_163 = arith.constant 0 : index
        %get3A_164 = tpu.vector_load %arg9[%get3A, %get3A_163] {strides = array<i32>} : memref<128x128xf32, #tpu.memory_space<vmem>>, vector<1x16xf32>,
        %get3A_165 = vector.shape_cast %get3A_164 : vector<1x16xf32> to vector<16xf32>
        %mul3A_166 = arith.constant 11.3137083 : f32
        %mul3A_167 = vector.broadcast %mul3A_166 : f32 to vector<16xf32>
        %mul3A_168 = arith.mulf %get3A_165, %mul3A_167 : vector<16xf32>
        %mul3A_169 = arith.constant 2 : i32
        %mul3A_170 = arith.muli %mul3A_169, %scan3A_158 : i32
        %add3A_171 = arith.constant 0 : i32
        %add3A_172 = arith.addi %mul3A_170, %add3A_171 : i32
        %swap3A = arith.index_cast %add3A_172 : i32 to index
        %swap3A_173 = arith.constant 0 : index
        %swap3A_174 = tpu.vector_load %arg9[%swap3A, %swap3A_173] {strides = array<i32>} : memref<128x128xf32, #tpu.memory_space<vmem>>, vector<1x16xf32>,
        %swap3A_175 = vector.shape_cast %swap3A_174 : vector<1x16xf32> to vector<16xf32>
        %swap3A_176 = vector.shape_cast %mul3A_168 : vector<16xf32> to vector<1x16xf32>
        tpu.vector_store %arg9[%swap3A, %swap3A_173], %swap3A_176 {strides = array<i32>} : memref<128x128xf32, #tpu.memory_space<vmem>>, vector<1x16xf32>,
        %mul3A_177 = arith.constant 2 : i32
        %mul3A_178 = arith.muli %mul3A_177, %scan3A_158 : i32
        %add3A_179 = arith.constant 0 : i32
        %add3A_180 = arith.addi %mul3A_178, %add3A_179 : i32
        %get3A_181 = arith.index_cast %add3A_180 : i32 to index
        %get3A_182 = arith.constant 16 : index
        %get3A_183 = tpu.vector_load %arg9[%get3A_181, %get3A_182] {strides = array<i32>} : memref<128x128xf32, #tpu.memory_space<vmem>>, vector<1x16xf32>,
        %get3A_184 = vector.shape_cast %get3A_183 : vector<1x16xf32> to vector<16xf32>
        %mul3A_185 = arith.constant 11.3137083 : f32
        %mul3A_186 = vector.broadcast %mul3A_185 : f32 to vector<16xf32>
        %mul3A_187 = arith.mulf %get3A_184, %mul3A_186 : vector<16xf32>
        %mul3A_188 = arith.constant 2 : i32
        %mul3A_189 = arith.muli %mul3A_188, %scan3A_158 : i32
        %add3A_190 = arith.constant 0 : i32
        %add3A_191 = arith.addi %mul3A_189, %add3A_190 : i32
        %swap3A_192 = arith.index_cast %add3A_191 : i32 to index
        %swap3A_193 = arith.constant 16 : index
        %swap3A_194 = tpu.vector_load %arg9[%swap3A_192, %swap3A_193] {strides = array<i32>} : memref<128x128xf32, #tpu.memory_space<vmem>>, vector<1x16xf32>,
        %swap3A_195 = vector.shape_cast %swap3A_194 : vector<1x16xf32> to vector<16xf32>
        %swap3A_196 = vector.shape_cast %mul3A_187 : vector<16xf32> to vector<1x16xf32>
        tpu.vector_store %arg9[%swap3A_192, %swap3A_193], %swap3A_196 {strides = array<i32>} : memref<128x128xf32, #tpu.memory_space<vmem>>, vector<1x16xf32>,
        %mul3A_197 = arith.constant 2 : i32
        %mul3A_198 = arith.muli %mul3A_197, %scan3A_158 : i32
        %add3A_199 = arith.constant 0 : i32
        %add3A_200 = arith.addi %mul3A_198, %add3A_199 : i32
        %get3A_201 = arith.index_cast %add3A_200 : i32 to index
        %get3A_202 = arith.constant 32 : index
        %get3A_203 = tpu.vector_load %arg9[%get3A_201, %get3A_202] {strides = array<i32>} : memref<128x128xf32, #tpu.memory_space<vmem>>, vector<1x16xf32>,
        %get3A_204 = vector.shape_cast %get3A_203 : vector<1x16xf32> to vector<16xf32>
        %mul3A_205 = arith.constant 11.3137083 : f32
        %mul3A_206 = vector.broadcast %mul3A_205 : f32 to vector<16xf32>
        %mul3A_207 = arith.mulf %get3A_204, %mul3A_206 : vector<16xf32>
        %mul3A_208 = arith.constant 2 : i32
        %mul3A_209 = arith.muli %mul3A_208, %scan3A_158 : i32
        %add3A_210 = arith.constant 0 : i32
        %add3A_211 = arith.addi %mul3A_209, %add3A_210 : i32
        %swap3A_212 = arith.index_cast %add3A_211 : i32 to index
        %swap3A_213 = arith.constant 32 : index
        %swap3A_214 = tpu.vector_load %arg9[%swap3A_212, %swap3A_213] {strides = array<i32>} : memref<128x128xf32, #tpu.memory_space<vmem>>, vector<1x16xf32>,
        %swap3A_215 = vector.shape_cast %swap3A_214 : vector<1x16xf32> to vector<16xf32>
        %swap3A_216 = vector.shape_cast %mul3A_207 : vector<16xf32> to vector<1x16xf32>
        tpu.vector_store %arg9[%swap3A_212, %swap3A_213], %swap3A_216 {strides = array<i32>} : memref<128x128xf32, #tpu.memory_space<vmem>>, vector<1x16xf32>,
        %mul3A_217 = arith.constant 2 : i32
        %mul3A_218 = arith.muli %mul3A_217, %scan3A_158 : i32
        %add3A_219 = arith.constant 0 : i32
        %add3A_220 = arith.addi %mul3A_218, %add3A_219 : i32
        %get3A_221 = arith.index_cast %add3A_220 : i32 to index
        %get3A_222 = arith.constant 48 : index
        %get3A_223 = tpu.vector_load %arg9[%get3A_221, %get3A_222] {strides = array<i32>} : memref<128x128xf32, #tpu.memory_space<vmem>>, vector<1x16xf32>,
        %get3A_224 = vector.shape_cast %get3A_223 : vector<1x16xf32> to vector<16xf32>
        %mul3A_225 = arith.constant 11.3137083 : f32
        %mul3A_226 = vector.broadcast %mul3A_225 : f32 to vector<16xf32>
        %mul3A_227 = arith.mulf %get3A_224, %mul3A_226 : vector<16xf32>
        %mul3A_228 = arith.constant 2 : i32
        %mul3A_229 = arith.muli %mul3A_228, %scan3A_158 : i32
        %add3A_230 = arith.constant 0 : i32
        %add3A_231 = arith.addi %mul3A_229, %add3A_230 : i32
        %swap3A_232 = arith.index_cast %add3A_231 : i32 to index
        %swap3A_233 = arith.constant 48 : index
        %swap3A_234 = tpu.vector_load %arg9[%swap3A_232, %swap3A_233] {strides = array<i32>} : memref<128x128xf32, #tpu.memory_space<vmem>>, vector<1x16xf32>,
        %swap3A_235 = vector.shape_cast %swap3A_234 : vector<1x16xf32> to vector<16xf32>
        %swap3A_236 = vector.shape_cast %mul3A_227 : vector<16xf32> to vector<1x16xf32>
        tpu.vector_store %arg9[%swap3A_232, %swap3A_233], %swap3A_236 {strides = array<i32>} : memref<128x128xf32, #tpu.memory_space<vmem>>, vector<1x16xf32>,
        %mul3A_237 = arith.constant 2 : i32
        %mul3A_238 = arith.muli %mul3A_237, %scan3A_158 : i32
        %add3A_239 = arith.constant 0 : i32
        %add3A_240 = arith.addi %mul3A_238, %add3A_239 : i32
        %get3A_241 = arith.index_cast %add3A_240 : i32 to index
        %get3A_242 = arith.constant 64 : index
        %get3A_243 = tpu.vector_load %arg9[%get3A_241, %get3A_242] {strides = array<i32>} : memref<128x128xf32, #tpu.memory_space<vmem>>, vector<1x16xf32>,
        %get3A_244 = vector.shape_cast %get3A_243 : vector<1x16xf32> to vector<16xf32>
        %mul3A_245 = arith.constant 11.3137083 : f32
        %mul3A_246 = vector.broadcast %mul3A_245 : f32 to vector<16xf32>
        %mul3A_247 = arith.mulf %get3A_244, %mul3A_246 : vector<16xf32>
        %mul3A_248 = arith.constant 2 : i32
        %mul3A_249 = arith.muli %mul3A_248, %scan3A_158 : i32
        %add3A_250 = arith.constant 0 : i32
        %add3A_251 = arith.addi %mul3A_249, %add3A_250 : i32
        %swap3A_252 = arith.index_cast %add3A_251 : i32 to index
        %swap3A_253 = arith.constant 64 : index
        %swap3A_254 = tpu.vector_load %arg9[%swap3A_252, %swap3A_253] {strides = array<i32>} : memref<128x128xf32, #tpu.memory_space<vmem>>, vector<1x16xf32>,
        %swap3A_255 = vector.shape_cast %swap3A_254 : vector<1x16xf32> to vector<16xf32>
        %swap3A_256 = vector.shape_cast %mul3A_247 : vector<16xf32> to vector<1x16xf32>
        tpu.vector_store %arg9[%swap3A_252, %swap3A_253], %swap3A_256 {strides = array<i32>} : memref<128x128xf32, #tpu.memory_space<vmem>>, vector<1x16xf32>,
        %mul3A_257 = arith.constant 2 : i32
        %mul3A_258 = arith.muli %mul3A_257, %scan3A_158 : i32
        %add3A_259 = arith.constant 0 : i32
        %add3A_260 = arith.addi %mul3A_258, %add3A_259 : i32
        %get3A_261 = arith.index_cast %add3A_260 : i32 to index
        %get3A_262 = arith.constant 80 : index
        %get3A_263 = tpu.vector_load %arg9[%get3A_261, %get3A_262] {strides = array<i32>} : memref<128x128xf32, #tpu.memory_space<vmem>>, vector<1x16xf32>,
        %get3A_264 = vector.shape_cast %get3A_263 : vector<1x16xf32> to vector<16xf32>
        %mul3A_265 = arith.constant 11.3137083 : f32
        %mul3A_266 = vector.broadcast %mul3A_265 : f32 to vector<16xf32>
        %mul3A_267 = arith.mulf %get3A_264, %mul3A_266 : vector<16xf32>
        %mul3A_268 = arith.constant 2 : i32
        %mul3A_269 = arith.muli %mul3A_268, %scan3A_158 : i32
        %add3A_270 = arith.constant 0 : i32
        %add3A_271 = arith.addi %mul3A_269, %add3A_270 : i32
        %swap3A_272 = arith.index_cast %add3A_271 : i32 to index
        %swap3A_273 = arith.constant 80 : index
        %swap3A_274 = tpu.vector_load %arg9[%swap3A_272, %swap3A_273] {strides = array<i32>} : memref<128x128xf32, #tpu.memory_space<vmem>>, vector<1x16xf32>,
        %swap3A_275 = vector.shape_cast %swap3A_274 : vector<1x16xf32> to vector<16xf32>
        %swap3A_276 = vector.shape_cast %mul3A_267 : vector<16xf32> to vector<1x16xf32>
        tpu.vector_store %arg9[%swap3A_272, %swap3A_273], %swap3A_276 {strides = array<i32>} : memref<128x128xf32, #tpu.memory_space<vmem>>, vector<1x16xf32>,
        %mul3A_277 = arith.constant 2 : i32
        %mul3A_278 = arith.muli %mul3A_277, %scan3A_158 : i32
        %add3A_279 = arith.constant 0 : i32
        %add3A_280 = arith.addi %mul3A_278, %add3A_279 : i32
        %get3A_281 = arith.index_cast %add3A_280 : i32 to index
        %get3A_282 = arith.constant 96 : index
        %get3A_283 = tpu.vector_load %arg9[%get3A_281, %get3A_282] {strides = array<i32>} : memref<128x128xf32, #tpu.memory_space<vmem>>, vector<1x16xf32>,
        %get3A_284 = vector.shape_cast %get3A_283 : vector<1x16xf32> to vector<16xf32>
        %mul3A_285 = arith.constant 11.3137083 : f32
        %mul3A_286 = vector.broadcast %mul3A_285 : f32 to vector<16xf32>
        %mul3A_287 = arith.mulf %get3A_284, %mul3A_286 : vector<16xf32>
        %mul3A_288 = arith.constant 2 : i32
        %mul3A_289 = arith.muli %mul3A_288, %scan3A_158 : i32
        %add3A_290 = arith.constant 0 : i32
        %add3A_291 = arith.addi %mul3A_289, %add3A_290 : i32
        %swap3A_292 = arith.index_cast %add3A_291 : i32 to index
        %swap3A_293 = arith.constant 96 : index
        %swap3A_294 = tpu.vector_load %arg9[%swap3A_292, %swap3A_293] {strides = array<i32>} : memref<128x128xf32, #tpu.memory_space<vmem>>, vector<1x16xf32>,
        %swap3A_295 = vector.shape_cast %swap3A_294 : vector<1x16xf32> to vector<16xf32>
        %swap3A_296 = vector.shape_cast %mul3A_287 : vector<16xf32> to vector<1x16xf32>
        tpu.vector_store %arg9[%swap3A_292, %swap3A_293], %swap3A_296 {strides = array<i32>} : memref<128x128xf32, #tpu.memory_space<vmem>>, vector<1x16xf32>,
        %mul3A_297 = arith.constant 2 : i32
        %mul3A_298 = arith.muli %mul3A_297, %scan3A_158 : i32
        %add3A_299 = arith.constant 0 : i32
        %add3A_300 = arith.addi %mul3A_298, %add3A_299 : i32
        %get3A_301 = arith.index_cast %add3A_300 : i32 to index
        %get3A_302 = arith.constant 112 : index
        %get3A_303 = tpu.vector_load %arg9[%get3A_301, %get3A_302] {strides = array<i32>} : memref<128x128xf32, #tpu.memory_space<vmem>>, vector<1x16xf32>,
        %get3A_304 = vector.shape_cast %get3A_303 : vector<1x16xf32> to vector<16xf32>
        %mul3A_305 = arith.constant 11.3137083 : f32
        %mul3A_306 = vector.broadcast %mul3A_305 : f32 to vector<16xf32>
        %mul3A_307 = arith.mulf %get3A_304, %mul3A_306 : vector<16xf32>
        %mul3A_308 = arith.constant 2 : i32
        %mul3A_309 = arith.muli %mul3A_308, %scan3A_158 : i32
        %add3A_310 = arith.constant 0 : i32
        %add3A_311 = arith.addi %mul3A_309, %add3A_310 : i32
        %swap3A_312 = arith.index_cast %add3A_311 : i32 to index
        %swap3A_313 = arith.constant 112 : index
        %swap3A_314 = tpu.vector_load %arg9[%swap3A_312, %swap3A_313] {strides = array<i32>} : memref<128x128xf32, #tpu.memory_space<vmem>>, vector<1x16xf32>,
        %swap3A_315 = vector.shape_cast %swap3A_314 : vector<1x16xf32> to vector<16xf32>
        %swap3A_316 = vector.shape_cast %mul3A_307 : vector<16xf32> to vector<1x16xf32>
        tpu.vector_store %arg9[%swap3A_312, %swap3A_313], %swap3A_316 {strides = array<i32>} : memref<128x128xf32, #tpu.memory_space<vmem>>, vector<1x16xf32>,
        %mul3A_317 = arith.constant 2 : i32
        %mul3A_318 = arith.muli %mul3A_317, %scan3A_158 : i32
        %add3A_319 = arith.constant 1 : i32
        %add3A_320 = arith.addi %mul3A_318, %add3A_319 : i32
        %get3A_321 = arith.index_cast %add3A_320 : i32 to index
        %get3A_322 = arith.constant 0 : index
        %get3A_323 = tpu.vector_load %arg9[%get3A_321, %get3A_322] {strides = array<i32>} : memref<128x128xf32, #tpu.memory_space<vmem>>, vector<1x16xf32>,
        %get3A_324 = vector.shape_cast %get3A_323 : vector<1x16xf32> to vector<16xf32>
        %mul3A_325 = arith.constant 11.3137083 : f32
        %mul3A_326 = vector.broadcast %mul3A_325 : f32 to vector<16xf32>
        %mul3A_327 = arith.mulf %get3A_324, %mul3A_326 : vector<16xf32>
        %mul3A_328 = arith.constant 2 : i32
        %mul3A_329 = arith.muli %mul3A_328, %scan3A_158 : i32
        %add3A_330 = arith.constant 1 : i32
        %add3A_331 = arith.addi %mul3A_329, %add3A_330 : i32
        %swap3A_332 = arith.index_cast %add3A_331 : i32 to index
        %swap3A_333 = arith.constant 0 : index
        %swap3A_334 = tpu.vector_load %arg9[%swap3A_332, %swap3A_333] {strides = array<i32>} : memref<128x128xf32, #tpu.memory_space<vmem>>, vector<1x16xf32>,
        %swap3A_335 = vector.shape_cast %swap3A_334 : vector<1x16xf32> to vector<16xf32>
        %swap3A_336 = vector.shape_cast %mul3A_327 : vector<16xf32> to vector<1x16xf32>
        tpu.vector_store %arg9[%swap3A_332, %swap3A_333], %swap3A_336 {strides = array<i32>} : memref<128x128xf32, #tpu.memory_space<vmem>>, vector<1x16xf32>,
        %mul3A_337 = arith.constant 2 : i32
        %mul3A_338 = arith.muli %mul3A_337, %scan3A_158 : i32
        %add3A_339 = arith.constant 1 : i32
        %add3A_340 = arith.addi %mul3A_338, %add3A_339 : i32
        %get3A_341 = arith.index_cast %add3A_340 : i32 to index
        %get3A_342 = arith.constant 16 : index
        %get3A_343 = tpu.vector_load %arg9[%get3A_341, %get3A_342] {strides = array<i32>} : memref<128x128xf32, #tpu.memory_space<vmem>>, vector<1x16xf32>,
        %get3A_344 = vector.shape_cast %get3A_343 : vector<1x16xf32> to vector<16xf32>
        %mul3A_345 = arith.constant 11.3137083 : f32
        %mul3A_346 = vector.broadcast %mul3A_345 : f32 to vector<16xf32>
        %mul3A_347 = arith.mulf %get3A_344, %mul3A_346 : vector<16xf32>
        %mul3A_348 = arith.constant 2 : i32
        %mul3A_349 = arith.muli %mul3A_348, %scan3A_158 : i32
        %add3A_350 = arith.constant 1 : i32
        %add3A_351 = arith.addi %mul3A_349, %add3A_350 : i32
        %swap3A_352 = arith.index_cast %add3A_351 : i32 to index
        %swap3A_353 = arith.constant 16 : index
        %swap3A_354 = tpu.vector_load %arg9[%swap3A_352, %swap3A_353] {strides = array<i32>} : memref<128x128xf32, #tpu.memory_space<vmem>>, vector<1x16xf32>,
        %swap3A_355 = vector.shape_cast %swap3A_354 : vector<1x16xf32> to vector<16xf32>
        %swap3A_356 = vector.shape_cast %mul3A_347 : vector<16xf32> to vector<1x16xf32>
        tpu.vector_store %arg9[%swap3A_352, %swap3A_353], %swap3A_356 {strides = array<i32>} : memref<128x128xf32, #tpu.memory_space<vmem>>, vector<1x16xf32>,
        %mul3A_357 = arith.constant 2 : i32
        %mul3A_358 = arith.muli %mul3A_357, %scan3A_158 : i32
        %add3A_359 = arith.constant 1 : i32
        %add3A_360 = arith.addi %mul3A_358, %add3A_359 : i32
        %get3A_361 = arith.index_cast %add3A_360 : i32 to index
        %get3A_362 = arith.constant 32 : index
        %get3A_363 = tpu.vector_load %arg9[%get3A_361, %get3A_362] {strides = array<i32>} : memref<128x128xf32, #tpu.memory_space<vmem>>, vector<1x16xf32>,
        %get3A_364 = vector.shape_cast %get3A_363 : vector<1x16xf32> to vector<16xf32>
        %mul3A_365 = arith.constant 11.3137083 : f32
        %mul3A_366 = vector.broadcast %mul3A_365 : f32 to vector<16xf32>
        %mul3A_367 = arith.mulf %get3A_364, %mul3A_366 : vector<16xf32>
        %mul3A_368 = arith.constant 2 : i32
        %mul3A_369 = arith.muli %mul3A_368, %scan3A_158 : i32
        %add3A_370 = arith.constant 1 : i32
        %add3A_371 = arith.addi %mul3A_369, %add3A_370 : i32
        %swap3A_372 = arith.index_cast %add3A_371 : i32 to index
        %swap3A_373 = arith.constant 32 : index
        %swap3A_374 = tpu.vector_load %arg9[%swap3A_372, %swap3A_373] {strides = array<i32>} : memref<128x128xf32, #tpu.memory_space<vmem>>, vector<1x16xf32>,
        %swap3A_375 = vector.shape_cast %swap3A_374 : vector<1x16xf32> to vector<16xf32>
        %swap3A_376 = vector.shape_cast %mul3A_367 : vector<16xf32> to vector<1x16xf32>
        tpu.vector_store %arg9[%swap3A_372, %swap3A_373], %swap3A_376 {strides = array<i32>} : memref<128x128xf32, #tpu.memory_space<vmem>>, vector<1x16xf32>,
        %mul3A_377 = arith.constant 2 : i32
        %mul3A_378 = arith.muli %mul3A_377, %scan3A_158 : i32
        %add3A_379 = arith.constant 1 : i32
        %add3A_380 = arith.addi %mul3A_378, %add3A_379 : i32
        %get3A_381 = arith.index_cast %add3A_380 : i32 to index
        %get3A_382 = arith.constant 48 : index
        %get3A_383 = tpu.vector_load %arg9[%get3A_381, %get3A_382] {strides = array<i32>} : memref<128x128xf32, #tpu.memory_space<vmem>>, vector<1x16xf32>,
        %get3A_384 = vector.shape_cast %get3A_383 : vector<1x16xf32> to vector<16xf32>
        %mul3A_385 = arith.constant 11.3137083 : f32
        %mul3A_386 = vector.broadcast %mul3A_385 : f32 to vector<16xf32>
        %mul3A_387 = arith.mulf %get3A_384, %mul3A_386 : vector<16xf32>
        %mul3A_388 = arith.constant 2 : i32
        %mul3A_389 = arith.muli %mul3A_388, %scan3A_158 : i32
        %add3A_390 = arith.constant 1 : i32
        %add3A_391 = arith.addi %mul3A_389, %add3A_390 : i32
        %swap3A_392 = arith.index_cast %add3A_391 : i32 to index
        %swap3A_393 = arith.constant 48 : index
        %swap3A_394 = tpu.vector_load %arg9[%swap3A_392, %swap3A_393] {strides = array<i32>} : memref<128x128xf32, #tpu.memory_space<vmem>>, vector<1x16xf32>,
        %swap3A_395 = vector.shape_cast %swap3A_394 : vector<1x16xf32> to vector<16xf32>
        %swap3A_396 = vector.shape_cast %mul3A_387 : vector<16xf32> to vector<1x16xf32>
        tpu.vector_store %arg9[%swap3A_392, %swap3A_393], %swap3A_396 {strides = array<i32>} : memref<128x128xf32, #tpu.memory_space<vmem>>, vector<1x16xf32>,
        %mul3A_397 = arith.constant 2 : i32
        %mul3A_398 = arith.muli %mul3A_397, %scan3A_158 : i32
        %add3A_399 = arith.constant 1 : i32
        %add3A_400 = arith.addi %mul3A_398, %add3A_399 : i32
        %get3A_401 = arith.index_cast %add3A_400 : i32 to index
        %get3A_402 = arith.constant 64 : index
        %get3A_403 = tpu.vector_load %arg9[%get3A_401, %get3A_402] {strides = array<i32>} : memref<128x128xf32, #tpu.memory_space<vmem>>, vector<1x16xf32>,
        %get3A_404 = vector.shape_cast %get3A_403 : vector<1x16xf32> to vector<16xf32>
        %mul3A_405 = arith.constant 11.3137083 : f32
        %mul3A_406 = vector.broadcast %mul3A_405 : f32 to vector<16xf32>
        %mul3A_407 = arith.mulf %get3A_404, %mul3A_406 : vector<16xf32>
        %mul3A_408 = arith.constant 2 : i32
        %mul3A_409 = arith.muli %mul3A_408, %scan3A_158 : i32
        %add3A_410 = arith.constant 1 : i32
        %add3A_411 = arith.addi %mul3A_409, %add3A_410 : i32
        %swap3A_412 = arith.index_cast %add3A_411 : i32 to index
        %swap3A_413 = arith.constant 64 : index
        %swap3A_414 = tpu.vector_load %arg9[%swap3A_412, %swap3A_413] {strides = array<i32>} : memref<128x128xf32, #tpu.memory_space<vmem>>, vector<1x16xf32>,
        %swap3A_415 = vector.shape_cast %swap3A_414 : vector<1x16xf32> to vector<16xf32>
        %swap3A_416 = vector.shape_cast %mul3A_407 : vector<16xf32> to vector<1x16xf32>
        tpu.vector_store %arg9[%swap3A_412, %swap3A_413], %swap3A_416 {strides = array<i32>} : memref<128x128xf32, #tpu.memory_space<vmem>>, vector<1x16xf32>,
        %mul3A_417 = arith.constant 2 : i32
        %mul3A_418 = arith.muli %mul3A_417, %scan3A_158 : i32
        %add3A_419 = arith.constant 1 : i32
        %add3A_420 = arith.addi %mul3A_418, %add3A_419 : i32
        %get3A_421 = arith.index_cast %add3A_420 : i32 to index
        %get3A_422 = arith.constant 80 : index
        %get3A_423 = tpu.vector_load %arg9[%get3A_421, %get3A_422] {strides = array<i32>} : memref<128x128xf32, #tpu.memory_space<vmem>>, vector<1x16xf32>,
        %get3A_424 = vector.shape_cast %get3A_423 : vector<1x16xf32> to vector<16xf32>
        %mul3A_425 = arith.constant 11.3137083 : f32
        %mul3A_426 = vector.broadcast %mul3A_425 : f32 to vector<16xf32>
        %mul3A_427 = arith.mulf %get3A_424, %mul3A_426 : vector<16xf32>
        %mul3A_428 = arith.constant 2 : i32
        %mul3A_429 = arith.muli %mul3A_428, %scan3A_158 : i32
        %add3A_430 = arith.constant 1 : i32
        %add3A_431 = arith.addi %mul3A_429, %add3A_430 : i32
        %swap3A_432 = arith.index_cast %add3A_431 : i32 to index
        %swap3A_433 = arith.constant 80 : index
        %swap3A_434 = tpu.vector_load %arg9[%swap3A_432, %swap3A_433] {strides = array<i32>} : memref<128x128xf32, #tpu.memory_space<vmem>>, vector<1x16xf32>,
        %swap3A_435 = vector.shape_cast %swap3A_434 : vector<1x16xf32> to vector<16xf32>
        %swap3A_436 = vector.shape_cast %mul3A_427 : vector<16xf32> to vector<1x16xf32>
        tpu.vector_store %arg9[%swap3A_432, %swap3A_433], %swap3A_436 {strides = array<i32>} : memref<128x128xf32, #tpu.memory_space<vmem>>, vector<1x16xf32>,
        %mul3A_437 = arith.constant 2 : i32
        %mul3A_438 = arith.muli %mul3A_437, %scan3A_158 : i32
        %add3A_439 = arith.constant 1 : i32
        %add3A_440 = arith.addi %mul3A_438, %add3A_439 : i32
        %get3A_441 = arith.index_cast %add3A_440 : i32 to index
        %get3A_442 = arith.constant 96 : index
        %get3A_443 = tpu.vector_load %arg9[%get3A_441, %get3A_442] {strides = array<i32>} : memref<128x128xf32, #tpu.memory_space<vmem>>, vector<1x16xf32>,
        %get3A_444 = vector.shape_cast %get3A_443 : vector<1x16xf32> to vector<16xf32>
        %mul3A_445 = arith.constant 11.3137083 : f32
        %mul3A_446 = vector.broadcast %mul3A_445 : f32 to vector<16xf32>
        %mul3A_447 = arith.mulf %get3A_444, %mul3A_446 : vector<16xf32>
        %mul3A_448 = arith.constant 2 : i32
        %mul3A_449 = arith.muli %mul3A_448, %scan3A_158 : i32
        %add3A_450 = arith.constant 1 : i32
        %add3A_451 = arith.addi %mul3A_449, %add3A_450 : i32
        %swap3A_452 = arith.index_cast %add3A_451 : i32 to index
        %swap3A_453 = arith.constant 96 : index
        %swap3A_454 = tpu.vector_load %arg9[%swap3A_452, %swap3A_453] {strides = array<i32>} : memref<128x128xf32, #tpu.memory_space<vmem>>, vector<1x16xf32>,
        %swap3A_455 = vector.shape_cast %swap3A_454 : vector<1x16xf32> to vector<16xf32>
        %swap3A_456 = vector.shape_cast %mul3A_447 : vector<16xf32> to vector<1x16xf32>
        tpu.vector_store %arg9[%swap3A_452, %swap3A_453], %swap3A_456 {strides = array<i32>} : memref<128x128xf32, #tpu.memory_space<vmem>>, vector<1x16xf32>,
        %mul3A_457 = arith.constant 2 : i32
        %mul3A_458 = arith.muli %mul3A_457, %scan3A_158 : i32
        %add3A_459 = arith.constant 1 : i32
        %add3A_460 = arith.addi %mul3A_458, %add3A_459 : i32
        %get3A_461 = arith.index_cast %add3A_460 : i32 to index
        %get3A_462 = arith.constant 112 : index
        %get3A_463 = tpu.vector_load %arg9[%get3A_461, %get3A_462] {strides = array<i32>} : memref<128x128xf32, #tpu.memory_space<vmem>>, vector<1x16xf32>,
        %get3A_464 = vector.shape_cast %get3A_463 : vector<1x16xf32> to vector<16xf32>
        %mul3A_465 = arith.constant 11.3137083 : f32
        %mul3A_466 = vector.broadcast %mul3A_465 : f32 to vector<16xf32>
        %mul3A_467 = arith.mulf %get3A_464, %mul3A_466 : vector<16xf32>
        %mul3A_468 = arith.constant 2 : i32
        %mul3A_469 = arith.muli %mul3A_468, %scan3A_158 : i32
        %add3A_470 = arith.constant 1 : i32
        %add3A_471 = arith.addi %mul3A_469, %add3A_470 : i32
        %swap3A_472 = arith.index_cast %add3A_471 : i32 to index
        %swap3A_473 = arith.constant 112 : index
        %swap3A_474 = tpu.vector_load %arg9[%swap3A_472, %swap3A_473] {strides = array<i32>} : memref<128x128xf32, #tpu.memory_space<vmem>>, vector<1x16xf32>,
        %swap3A_475 = vector.shape_cast %swap3A_474 : vector<1x16xf32> to vector<16xf32>
        %swap3A_476 = vector.shape_cast %mul3A_467 : vector<16xf32> to vector<1x16xf32>
        tpu.vector_store %arg9[%swap3A_472, %swap3A_473], %swap3A_476 {strides = array<i32>} : memref<128x128xf32, #tpu.memory_space<vmem>>, vector<1x16xf32>,
      }
      %scan3A_150 = arith.constant 64 : i32
      %mul3A_151 = arith.constant 128 : i32
      %mul3A_152 = arith.muli %add3A_131, %mul3A_151 : i32
      %add3A_153 = arith.addi %mul3A_2, %mul3A_152 : i32
      %dma_start3A_154 = arith.constant 0 : i32
      %dma_start3A_155 = tpu.memref_slice %arg4[%add3A_153, %dma_start3A_154] : memref<819200x128xf32, #tpu.memory_space<hbm>> -> memref<128x128xf32, #tpu.memory_space<hbm>>
      %dma_start3A_156 = arith.constant 0 : i32
      %dma_start3A_157 = tpu.memref_slice %arg4[%add3A_153, %dma_start3A_156] : memref<819200x128xf32, #tpu.memory_space<hbm>> -> memref<128x128xf32, #tpu.memory_space<hbm>>
      tpu.enqueue_dma source(%arg9 : memref<128x128xf32, #tpu.memory_space<vmem>>) target(%dma_start3A_157 : memref<128x128xf32, #tpu.memory_space<hbm>>) target_semaphore(%arg17 : memref<!tpu.dma_semaphore, #tpu.memory_space<semaphore_mem>>)
    }
    %scan3A_16 = arith.constant 50 : i32
    %add3A_17 = arith.constant 25088 : i32
    %add3A_18 = arith.addi %mul3A_2, %add3A_17 : i32
    %dma_wait3A = arith.constant 0 : i32
    %dma_wait3A_19 = tpu.memref_slice %arg4[%add3A_18, %dma_wait3A] : memref<819200x128xf32, #tpu.memory_space<hbm>> -> memref<128x128xf32, #tpu.memory_space<hbm>>
    %dma_wait3A_20 = arith.constant 0 : i32
    %dma_wait3A_21 = tpu.memref_slice %arg4[%add3A_18, %dma_wait3A_20] : memref<819200x128xf32, #tpu.memory_space<hbm>> -> memref<128x128xf32, #tpu.memory_space<hbm>>
    tpu.wait_dma2 semaphore(%arg14 : memref<!tpu.dma_semaphore, #tpu.memory_space<semaphore_mem>>) src(%arg6 : memref<128x128xf32, #tpu.memory_space<vmem>>) dst(%dma_wait3A_21 : memref<128x128xf32, #tpu.memory_space<hbm>>)
    %add3A_22 = arith.constant 25216 : i32
    %add3A_23 = arith.addi %mul3A_2, %add3A_22 : i32
    %dma_wait3A_24 = arith.constant 0 : i32
    %dma_wait3A_25 = tpu.memref_slice %arg4[%add3A_23, %dma_wait3A_24] : memref<819200x128xf32, #tpu.memory_space<hbm>> -> memref<128x128xf32, #tpu.memory_space<hbm>>
    %dma_wait3A_26 = arith.constant 0 : i32
    %dma_wait3A_27 = tpu.memref_slice %arg4[%add3A_23, %dma_wait3A_26] : memref<819200x128xf32, #tpu.memory_space<hbm>> -> memref<128x128xf32, #tpu.memory_space<hbm>>
    tpu.wait_dma2 semaphore(%arg15 : memref<!tpu.dma_semaphore, #tpu.memory_space<semaphore_mem>>) src(%arg7 : memref<128x128xf32, #tpu.memory_space<vmem>>) dst(%dma_wait3A_27 : memref<128x128xf32, #tpu.memory_space<hbm>>)
    %add3A_28 = arith.constant 25344 : i32
    %add3A_29 = arith.addi %mul3A_2, %add3A_28 : i32
    %dma_wait3A_30 = arith.constant 0 : i32
    %dma_wait3A_31 = tpu.memref_slice %arg4[%add3A_29, %dma_wait3A_30] : memref<819200x128xf32, #tpu.memory_space<hbm>> -> memref<128x128xf32, #tpu.memory_space<hbm>>
    %dma_wait3A_32 = arith.constant 0 : i32
    %dma_wait3A_33 = tpu.memref_slice %arg4[%add3A_29, %dma_wait3A_32] : memref<819200x128xf32, #tpu.memory_space<hbm>> -> memref<128x128xf32, #tpu.memory_space<hbm>>
    tpu.wait_dma2 semaphore(%arg16 : memref<!tpu.dma_semaphore, #tpu.memory_space<semaphore_mem>>) src(%arg8 : memref<128x128xf32, #tpu.memory_space<vmem>>) dst(%dma_wait3A_33 : memref<128x128xf32, #tpu.memory_space<hbm>>)
    %add3A_34 = arith.constant 25472 : i32
    %add3A_35 = arith.addi %mul3A_2, %add3A_34 : i32
    %dma_wait3A_36 = arith.constant 0 : i32
    %dma_wait3A_37 = tpu.memref_slice %arg4[%add3A_35, %dma_wait3A_36] : memref<819200x128xf32, #tpu.memory_space<hbm>> -> memref<128x128xf32, #tpu.memory_space<hbm>>
    %dma_wait3A_38 = arith.constant 0 : i32
    %dma_wait3A_39 = tpu.memref_slice %arg4[%add3A_35, %dma_wait3A_38] : memref<819200x128xf32, #tpu.memory_space<hbm>> -> memref<128x128xf32, #tpu.memory_space<hbm>>
    tpu.wait_dma2 semaphore(%arg17 : memref<!tpu.dma_semaphore, #tpu.memory_space<semaphore_mem>>) src(%arg9 : memref<128x128xf32, #tpu.memory_space<vmem>>) dst(%dma_wait3A_39 : memref<128x128xf32, #tpu.memory_space<hbm>>)
    return
  }
}

</mosaic_0001>

<sc_bundles>
// kernel: kernel.3.cloned.1.call-start
scs
__scs_entry_jumppad:
0x0: {  	(pc) =	sbr.rel $0x88, $3  }
0x1: {  	(tag) =	ssettag $0x0;
	lr =	simm.s32 $0x1  }
0x2: {  	[smem:$0x3F9F] =	sst lr;
	_ =	strace $0xD0000000  }
0x3: {  	_ = 	snop  }
0x4: {  	_ = 	snop  }
0x5: {  	_ = 	snop  }
0x6: {  	_ = 	snop  }
0x7: {  	_ = 	snop  }
__scs_overlays_trampoline_lowered:
0x8: {  	[smem:$0x3FAE] =	sst s0  }
0x9: {  	[smem:$0x3FAF] =	sst s1  }
0xa: {  	[smem:$0x3FB0] =	sst s2  }
0xb: {  	[smem:$0x3FB1] =	sst s3  }
0xc: {  	[smem:$0x3FB2] =	sst s4  }
0xd: {  	[smem:$0x3FB3] =	sst s5  }
0xe: {  	[smem:$0x3FB4] =	sst s6  }
0xf: {  	[smem:$0x3FB5] =	sst s7  }
0x10: {  	[smem:$0x3FB6] =	sst s8  }
0x11: {  	[smem:$0x3FB7] =	sst s9;
	s0 =	simm.s32 @!p0 $0x0  }
0x12: {  	s1 =	sld [smem:$0x3F9D];
	s0 =	simm.s32 @p0 $0x1  }
0x13: {  	[smem:$0x3FB8] =	sst s0;
	s0 =	simm.s32 @!p1 $0x0  }
0x14: {  	s2 =	sld [smem:$0x3F9C];
	s0 =	simm.s32 @p1 $0x1  }
0x15: {  	[smem:$0x3FB9] =	sst s0;
	s0 =	simm.s32 @!p2 $0x0  }
0x16: {  	s3 =	sld [smem:$0x3FDB];
	s0 =	simm.s32 @p2 $0x1  }
0x17: {  	s4 =	simm.s32 $0x1BF5;
	[smem:$0x3FBB] =	sst s0  }
0x18: {  	s0 =	sld [smem:$0x3F9E];
	_ =	swait.ge [sflag:s4], $0x0  }
0x19: {  	s7 =	sld [smem:$0x3F9F]  }
0x1a: {  	s8 =	sadd.s32 $0xFFFFE003, lr  }
0x1b: {  	s9 =	sadd.s32 $0xFFFFFEF7, lr;
	s5 =	simm.s32 $0xFFFFFFFF;
	p2 =	slt.u32 s8, $0xFFFFF086  }
0x1c: {  	p1 =	slt.u32 s9, $0xF7A;
	s5 =	simm.s32 @!p2 $0x0  }
0x1d: {  	s5 =	simm.s32 @p1 $0x1;
	p0 =	seq.s32 s7, s2  }
0x1e: {  	s7 =	smul.u32 @!p0 $0xF7A, s2;
	p2 =	seq.s32 @!p0 s5, $0x0  }
0x1f: {  	s9 =	smul.u32 $0xF7A, s1;
	s8 =	simm.s32 @!p0 $0x1BF5;
	p2 =	por !p2, p0  }
0x20: {  	[sflag:s8] =	ssyncset.s32 @!p0 $0xFFFFF086;
	s6 =	sadd.s32 @!p0 s3, s7;
	s7 =	simm.s32 @!p0 $0x108  }
0x21: {  	s3 =	sadd.s32 s3, s9;
	s6 =	sadd.s32 @!p0 $0x88, s6;
	s7 =	simm.s32 @p2 $0x1082  }
0x22: {  	[simem:s7], [sflag:s8] =	dma.local @!p0 [hbm:s6], $0xF7A  }
0x23: {  	s9 =	sor.u32 $0xD0000000, s2;
	s6 =	simm.s32 $0x108;
	_ =	swait.ge @!p0 [sflag:s8], $0x0  }
0x24: {  	s3 =	sadd.s32 $0x88, s3;
	s6 =	simm.s32 @!p1 $0x1082;
	[sflag:s4] =	ssyncset.s32 $0xFFFFF086  }
0x25: {  	[simem:s6], [sflag:s4] =	dma.local [hbm:s3], $0xF7A  }
0x26: {  	[smem:$0x3F9F] =	sst s1;
	(tag) =	ssettag s2;
	_ =	strace s9  }
0x27: {  	s1 =	sld [smem:$0x3FAF]  }
0x28: {  	s2 =	sld [smem:$0x3FB0]  }
0x29: {  	s4 =	sld [smem:$0x3FB2]  }
0x2a: {  	p0 =	seq.s32 s5, $0x0;
	s5 =	sld [smem:$0x3FB3]  }
0x2b: {  	s6 =	sld [smem:$0x3FB4]  }
0x2c: {  	s7 =	sld [smem:$0x3FB5]  }
0x2d: {  	s3 =	simm.s32 $0x108;
	s8 =	sld [smem:$0x3FB6]  }
0x2e: {  	s3 =	simm.s32 @!p0 $0x1082;
	s9 =	sld [smem:$0x3FB7]  }
0x2f: {  	lr =	sadd.s32 s0, s3;
	s0 =	sld [smem:$0x3FAE]  }
0x30: {  	s3 =	sld [smem:$0x3FB1]  }
0x31: {  	[smem:$0x3FBA] =	sst s10  }
0x32: {  	s10 =	sld [smem:$0x3FB8];
	_ =	sdelay $0x3  }
0x33: {  	p0 =	seq.s32 s10, $0x1;
	s10 =	sld [smem:$0x3FBA];
	_ =	sdelay $0x3  }
0x34: {  	[smem:$0x3FBA] =	sst s10  }
0x35: {  	s10 =	sld [smem:$0x3FB9];
	_ =	sdelay $0x3  }
0x36: {  	p1 =	seq.s32 s10, $0x1;
	s10 =	sld [smem:$0x3FBA];
	_ =	sdelay $0x3  }
0x37: {  	[smem:$0x3FBA] =	sst s10  }
0x38: {  	s10 =	sld [smem:$0x3FBB]  }
0x39: {  	_ = 	snop;
	(pc) =	sbr.ind lr, $3  }
0x3a: {  	_ = 	snop  }
0x3b: {  	_ = 	snop  }
0x3c: {  	p2 =	seq.s32 s10, $0x1;
	s10 =	sld [smem:$0x3FBA]  }
0x3d: {  	_ =	shalt  }
0x3e: {  	_ =	shalt  }
0x3f: {  	_ =	shalt  }
0x40: {  	_ =	shalt  }
0x41: {  	_ =	shalt  }
0x42: {  	_ =	shalt  }
0x43: {  	_ =	shalt  }
0x44: {  	_ =	shalt  }
0x45: {  	_ =	shalt  }
0x46: {  	_ =	shalt  }
0x47: {  	_ =	shalt  }
0x48: {  	_ =	shalt  }
0x49: {  	_ =	shalt  }
0x4a: {  	_ =	shalt  }
0x4b: {  	_ =	shalt  }
0x4c: {  	_ =	shalt  }
0x4d: {  	_ =	shalt  }
0x4e: {  	_ =	shalt  }
0x4f: {  	_ =	shalt  }
0x50: {  	_ =	shalt  }
0x51: {  	_ =	shalt  }
0x52: {  	_ =	shalt  }
0x53: {  	_ =	shalt  }
0x54: {  	_ =	shalt  }
0x55: {  	_ =	shalt  }
0x56: {  	_ =	shalt  }
0x57: {  	_ =	shalt  }
0x58: {  	_ =	shalt  }
0x59: {  	_ =	shalt  }
0x5a: {  	_ =	shalt  }
0x5b: {  	_ =	shalt  }
0x5c: {  	_ =	shalt  }
0x5d: {  	_ =	shalt  }
0x5e: {  	_ =	shalt  }
0x5f: {  	_ =	shalt  }
0x60: {  	_ =	shalt  }
0x61: {  	_ =	shalt  }
0x62: {  	_ =	shalt  }
0x63: {  	_ =	shalt  }
0x64: {  	_ =	shalt  }
0x65: {  	_ =	shalt  }
0x66: {  	_ =	shalt  }
0x67: {  	_ =	shalt  }
0x68: {  	_ =	shalt  }
0x69: {  	_ =	shalt  }
0x6a: {  	_ =	shalt  }
0x6b: {  	_ =	shalt  }
0x6c: {  	_ =	shalt  }
0x6d: {  	_ =	shalt  }
0x6e: {  	_ =	shalt  }
0x6f: {  	_ =	shalt  }
0x70: {  	_ =	shalt  }
0x71: {  	_ =	shalt  }
0x72: {  	_ =	shalt  }
0x73: {  	_ =	shalt  }
0x74: {  	_ =	shalt  }
0x75: {  	_ =	shalt  }
0x76: {  	_ =	shalt  }
0x77: {  	_ =	shalt  }
0x78: {  	_ =	shalt  }
0x79: {  	_ =	shalt  }
0x7a: {  	_ =	shalt  }
0x7b: {  	_ =	shalt  }
0x7c: {  	_ =	shalt  }
0x7d: {  	_ =	shalt  }
0x7e: {  	_ =	shalt  }
0x7f: {  	_ =	shalt  }
0x80: {  	_ =	shalt  }
0x81: {  	_ =	shalt  }
0x82: {  	_ =	shalt  }
0x83: {  	_ =	shalt  }
0x84: {  	_ =	shalt  }
0x85: {  	_ =	shalt  }
0x86: {  	_ =	shalt  }
0x87: {  	_ =	shalt  }
.Lfunc_end0:
.L_simem_size_0:
called_computation_lowered:
.L_overlay_start_0:
0x88: {  	s2 =	sld [smem:$0x3FD9]  }
0x89: {  	s3 =	sld [smem:$0x3FFE];
	_ =	sdelay $0x1  }
0x8a: {  	s1 =	srdreg.scid  }
0x8b: {  	s0 =	sand.u32 $0x1, s1  }
0x8c: {  	s17 =	sshll.u32 s0, $0xA;
	s2 =	sadd.s32 s3, s2  }
0x8d: {  	s2 =	sadd.s32 s2, s17  }
0x8e: {  	[smem:$0x3FC6] =	sst s2  }
0x8f: {  	_ = 	snop  }
0x90: {  	s2 =	sld [smem:$0x3FC8]  }
0x91: {  	s18 =	sld [smem:$0x3FD0];
	(tm) =	ssettm $0x1  }
0x92: {  	s4 =	sld [smem:$0x3FFB];
	_ =	sdelay $0x3  }
0x93: {  	_ =	strace s4  }
0x94: {  	s4 =	sld [smem:$0x3FFC];
	_ =	sdelay $0x3  }
0x95: {  	_ =	strace s4  }
0x96: {  	s4 =	sld [smem:$0x3FFD];
	_ =	sdelay $0x3  }
0x97: {  	_ =	strace s4  }
0x98: {  	_ =	strace $0x8FFFFFFF  }
0x99: {  	s19 =	sld [smem:$0x3FDB];
	_ =	sdelay $0x1  }
0x9a: {  	s5 =	simm.s32 $_scs_section_size  }
0x9b: {  	s6 =	simm.s32 $_size__tile_overlayer_lowered;
	s7 =	simm.s32 $_tile_overlayer_lowered  }
0x9c: {  	s22 =	simm.s32 $0x1BFF;
	s21 =	sshll.u32 s7, $0x1;
	s4 =	sadd.s32 s5, s19  }
0x9d: {  	s8 =	simm.s32 $0x0;
	s20 =	sshll.u32 s6, $0x1;
	s6 =	sadd.s32 s21, s4  }
0x9e: {  	[timem:s8], [sflag:s22] =	dma.local [hbm:s6], s20  }
0x9f: {  	_ =	swait.ge [sflag:s22], s20  }
0xa0: {  	s5 =	ssub.s32 $0x0, s20;
	[sflag:s22] =	ssyncset.done $0x0  }
0xa1: {  	[sflag:s22] =	ssyncadd.s32 s5;
	_ =	sdelay $0x1  }
0xa2: {  	s23 =	simm.s32 $0x1B8B  }
0xa3: {  	_ =	swait.ge [sflag:s23], $0x1  }
0xa4: {  	[sflag:s23] =	ssyncset.done $0x0  }
0xa5: {  	s25 =	simm.s32 $0x1B8E;
	s24 =	sld [smem:$0x3FFE];
	[sflag:s23] =	ssyncadd.s32 $0xFFFFFFFF  }
0xa6: {  	s26 =	simm.s32 $execute0_lowered;
	[smem:$0x3FD2] =	sst s25  }
0xa7: {  	s6 =	sshll.u32 s26, $0x1;
	_ =	strace $0x80000046;
	[dreg:$0x1] =	wrdreg $0xFFFFFFFF  }
0xa8: {  	s28 =	simm.s32 $_size_execute0_lowered;
	s4 =	sadd.s32 s4, s6;
	[dreg:$0x0] =	wrdreg $0x0  }
0xa9: {  	s6 =	sshll.u32 s28, $0x1;
	[dreg:$0x2] =	wrdreg s4  }
0xaa: {  	[dreg:$0x3] =	wrdreg s6  }
0xab: {  	[dreg:$0x4] =	wrdreg $0xC0  }
0xac: {  	_ =	task [dreg:s8], $0x5FFFF  }
0xad: {  	[dreg:$0x1] =	wrdreg $0xFFFFFFFF  }
0xae: {  	[dreg:$0x0] =	wrdreg $0x60  }
0xaf: {  	[dreg:$0x2] =	wrdreg s24  }
0xb0: {  	[dreg:$0x3] =	wrdreg s2  }
0xb1: {  	[dreg:$0x4] =	wrdreg s18  }
0xb2: {  	[dreg:$0x5] =	wrdreg $0x9  }
0xb3: {  	_ =	task.clear_ibuf [dreg:s8], $0x6FFFF;
	_ =	strace $0x90000046  }
0xb4: {  	s29 =	simm.s32 $0x9;
	_ =	strace $0x80000048  }
0xb5: {  	_ =	swait.ge [sflag:s29], $0x1  }
0xb6: {  	[sflag:s29] =	ssyncadd.s32 $0xFFFFFFFF  }
0xb7: {  	_ =	strace $0x90000048  }
0xb8: {  	_ =	sfence  }
0xb9: {  	s30 =	sld [smem:$0x0];
	_ =	sdelay $0x2  }
0xba: {  	s31 =	sshll.u32 s1, $0xD;
	s1 =	sshrl.u32 s1, $0x2  }
0xbb: {  	s3 =	sand.u32 $0x4000, s31;
	s1 =	sadd.s32 s1, s30  }
0xbc: {  	s0 =	sor.u32 s3, s0;
	s1 =	sshll.u32 s1, $0x11  }
0xbd: {  	s0 =	sor.u32 s1, s0  }
0xbe: {  	s0 =	sadd.s32 $0x8F2B, s0  }
0xbf: {  	[sflag:s0] =	ssyncadd.remote.s32 $0x1  }
0xc0: {  	_ =	sfence.sel $0xFFFF  }
0xc1: {  	[dreg:$0x0] =	wrdreg $0xFFFFFFFF;
	(pc) =	sbr.abs _section_cstart, $3  }
0xc2: {  	[dreg:$0x1] =	wrdreg $0xFFFFFFFF  }
0xc3: {  	_ =	task.clear_ibuf [dreg:s8], $0x2FFFF;
	_ =	strace $0x9FFFFFFF  }
0xc4: {  	(tm) =	ssettm $0x7FFFFFFF  }
0xc5: {  	_ =	shalt  }
tec
execute0_lowered:
.L_overlay_start_1:
0x0: {  	(tag) =	ssettag $0x1  }
0x1: {  	s5 =	rddreg [dreg:$0x0]  }
0x2: {  	s1 =	srdreg.scid;
	s2 =	rddreg [dreg:$0x1]  }
0x3: {  	s0 =	stileid.u32;
	s3 =	rddreg [dreg:$0x2]  }
0x4: {  	s4 =	simm.s32 $0x0;
	s10 =	simm.s32 $0x80;
	s11 =	simm.s32 $0x6400  }
0x5: {  	s12 =	simm.s32 $0xA400;
	s13 =	simm.s32 $0x1;
	s14 =	simm.s32 $0xE400  }
0x6: {  	s15 =	simm.s32 $0x2;
	s16 =	simm.s32 $0x12400;
	s17 =	simm.s32 $0x3  }
0x7: {  	s18 =	simm.s32 $0x4;
	s19 =	simm.s32 $0x5;
	s20 =	simm.s32 $0x6  }
0x8: {  	s21 =	simm.s32 $0x7;
	s6 =	sand.u32 $0x1, s1;
	s30 =	sshll.u32 s0, $0x1  }
0x9: {  	s22 =	simm.s32 $0x8;
	s23 =	simm.s32 $0x0;
	s7 =	sor.u32 s6, s30  }
0xa: {  	s1 =	rddreg [dreg:$0x3];
	s6 =	ssub.s32 $0x2, s6;
	s8 =	smul.u32 $0xC80, s7  }
0xb: {  	[smem:$0x7FF] =	sst s4;
	s9 =	smul.u32 $0x64000, s7;
	s31 =	sshrl.u32 s6, $0x1  }
0xc: {  	_ =	strace $0x80000047;
	s5 =	sadd.s32 s8, s5;
	s8 =	ssub.s32 s6, s31  }
0xd: {  	s9 =	sadd.s32 s9, s3;
	s6 =	smul.u32 $0x320000, s7;
	s5 =	sadd.s32 $0x400, s5  }
0xe: {  	s7 =	smax.u32 s8, $0x1;
	s8 =	sadd.s32 $0x800, s9;
	s9 =	simm.s32 $0x9  }
.LBB2_1:
0xf: {  	[tilespmem:s4], [sflag:$0x9] =	stream.linear.gather [hbm4b:s5+s4], $0x6400, $0x38;
	[tilespmem:$0x16400] =	vst v63  }
0x10: {  	_ =	swait.ge [sflag:s9], $0x6400  }
0x11: {  	[sflag:s9] =	ssyncset.done $0x0  }
0x12: {  	[sflag:s9] =	ssyncadd.s32 $0xFFFF9C00  }
0x13: {  	[tilespmem:s11], [sflag:$0x1] =	stream.indirect.gather [hbm4b:s2+s10], $0x80, s4, s10, $0xb8;
	[tilespmem:$0x16400] =	vst v63  }
0x14: {  	s24 =	simm.s32 $0x0  }
0x15: {  	[tilespmem:s12], [sflag:$0x2] =	stream.indirect.gather [hbm4b:s2+s10], $0x80, s10, s10, $0xb8;
	[tilespmem:$0x16400] =	vst v63  }
.LBB2_2:
0x16: {  	_ =	swait.ge [sflag:s13], $0x4000  }
0x17: {  	p0 =	seq.s32 s24, $0x0;
	[sflag:s13] =	ssyncset.done $0x0  }
0x18: {  	s26 =	sshll.u32 s24, $0x2;
	s28 =	simm.s32 @!p0 $0x7;
	[sflag:s13] =	ssyncadd.s32 $0xFFFFC000  }
0x19: {  	s25 =	sor.u32 $0x2, s26;
	_ =	swait.ge @!p0 [sflag:s28], $0x4000  }
0x1a: {  	s29 =	sshll.u32 s25, $0x7;
	[sflag:s28] =	ssyncset.done @!p0 $0x0  }
0x1b: {  	[sflag:s28] =	ssyncadd.s32 @!p0 $0xFFFFC000;
	s28 =	sand.u32 $0x3FFFFF80, s29  }
0x1c: {  	[tilespmem:s14], [sflag:$0x3] =	stream.indirect.gather [hbm4b:s2+s10], $0x80, s28, s10, $0xb8;
	[tilespmem:$0x16400] =	vst v63  }
0x1d: {  	s28 =	simm.s32 $0x0  }
0x1e: {  	v0 =	vld [tilespmem:s28+$0x6400]  }
0x1f: {  	v1 =	vld [tilespmem:s28+$0x6410]  }
0x20: {  	v2 =	vld [tilespmem:s28+$0x6420]  }
0x21: {  	v3 =	vld [tilespmem:s28+$0x6430]  }
0x22: {  	v4 =	vld [tilespmem:s28+$0x6440]  }
0x23: {  	v5 =	vld [tilespmem:s28+$0x6450];
	v0 =	vmul.f32 $1.131370830e+01, v0  }
0x24: {  	v6 =	vld [tilespmem:s28+$0x6460];
	v1 =	vmul.f32 $1.131370830e+01, v1  }
0x25: {  	v7 =	vld [tilespmem:s28+$0x6470];
	[tilespmem:s28+$0x6400] =	vst v0;
	v0 =	vmul.f32 $1.131370830e+01, v2  }
0x26: {  	v8 =	vld [tilespmem:s28+$0x6480];
	[tilespmem:s28+$0x6410] =	vst v1;
	v1 =	vmul.f32 $1.131370830e+01, v3  }
0x27: {  	v9 =	vld [tilespmem:s28+$0x6490];
	[tilespmem:s28+$0x6420] =	vst v0;
	v0 =	vmul.f32 $1.131370830e+01, v4  }
0x28: {  	v2 =	vmul.f32 $1.131370830e+01, v5;
	[tilespmem:s28+$0x6430] =	vst v1;
	v1 =	vld [tilespmem:s28+$0x64A0]  }
0x29: {  	v3 =	vmul.f32 $1.131370830e+01, v6;
	[tilespmem:s28+$0x6440] =	vst v0;
	v0 =	vld [tilespmem:s28+$0x64B0]  }
0x2a: {  	[tilespmem:s28+$0x6450] =	vst v2;
	v2 =	vld [tilespmem:s28+$0x64C0];
	v4 =	vmul.f32 $1.131370830e+01, v7  }
0x2b: {  	v6 =	vmul.f32 $1.131370830e+01, v8;
	[tilespmem:s28+$0x6460] =	vst v3;
	v3 =	vld [tilespmem:s28+$0x64D0]  }
0x2c: {  	s29 =	simm.s32 $0x400;
	v5 =	vmul.f32 $1.131370830e+01, v9;
	[tilespmem:s28+$0x6470] =	vst v4;
	v4 =	vld [tilespmem:s28+$0x64E0]  }
.LBB2_3:
0x2d: {  	s30 =	sshra.s32 s29, $0x2;
	p1 =	sne.s32 s29, $0xFC00;
	[tilespmem:s28+$0x6480] =	vst v6;
	v1 =	vmul.f32 $1.131370830e+01, v1;
	v6 =	vld [tilespmem:s28+$0x64F0]  }
0x2e: {  	v7 =	vld [tilespmem:s30+$0x6400];
	[tilespmem:s28+$0x6490] =	vst v5;
	v0 =	vmul.f32 $1.131370830e+01, v0  }
0x2f: {  	v5 =	vld [tilespmem:s30+$0x6410];
	[tilespmem:s28+$0x64A0] =	vst v1;
	v1 =	vmul.f32 $1.131370830e+01, v2  }
0x30: {  	v2 =	vld [tilespmem:s30+$0x6420];
	[tilespmem:s28+$0x64B0] =	vst v0;
	v0 =	vmul.f32 $1.131370830e+01, v3  }
0x31: {  	v3 =	vld [tilespmem:s30+$0x6430];
	[tilespmem:s28+$0x64C0] =	vst v1;
	v1 =	vmul.f32 $1.131370830e+01, v4  }
0x32: {  	v4 =	vld [tilespmem:s30+$0x6440];
	[tilespmem:s28+$0x64D0] =	vst v0;
	v0 =	vmul.f32 $1.131370830e+01, v6  }
0x33: {  	v6 =	vmul.f32 $1.131370830e+01, v7;
	v7 =	vld [tilespmem:s30+$0x6450];
	[tilespmem:s28+$0x64E0] =	vst v1  }
0x34: {  	v1 =	vmul.f32 $1.131370830e+01, v5;
	v5 =	vld [tilespmem:s30+$0x6460];
	[tilespmem:s28+$0x64F0] =	vst v0;
	s28 =	smov.u32 s30  }
0x35: {  	[tilespmem:s28+$0x6400] =	vst v6;
	v0 =	vmul.f32 $1.131370830e+01, v2;
	v2 =	vld [tilespmem:s28+$0x6470]  }
0x36: {  	[tilespmem:s28+$0x6410] =	vst v1;
	v1 =	vmul.f32 $1.131370830e+01, v3;
	v3 =	vld [tilespmem:s28+$0x6480]  }
0x37: {  	[tilespmem:s28+$0x6420] =	vst v0;
	v0 =	vmul.f32 $1.131370830e+01, v4;
	v4 =	vld [tilespmem:s28+$0x6490]  }
.Ltmp0:
0x38: {  	[tilespmem:s28+$0x6430] =	vst v1;
	v6 =	vmul.f32 $1.131370830e+01, v7;
	v1 =	vld [tilespmem:s28+$0x64A0];
	(pc) =	sbr.rel @p1 .LBB2_3-.Ltmp0, $4  }
0x39: {  	[tilespmem:s28+$0x6440] =	vst v0;
	v5 =	vmul.f32 $1.131370830e+01, v5;
	v0 =	vld [tilespmem:s28+$0x64B0]  }
0x3a: {  	[tilespmem:s28+$0x6450] =	vst v6;
	v7 =	vmul.f32 $1.131370830e+01, v2;
	v2 =	vld [tilespmem:s28+$0x64C0]  }
0x3b: {  	[tilespmem:s28+$0x6460] =	vst v5;
	v6 =	vmul.f32 $1.131370830e+01, v3;
	v3 =	vld [tilespmem:s28+$0x64D0]  }
0x3c: {  	s29 =	sadd.s32 $0x400, s29;
	[tilespmem:s28+$0x6470] =	vst v7;
	v5 =	vmul.f32 $1.131370830e+01, v4;
	v4 =	vld [tilespmem:s28+$0x64E0]  }
0x3d: {  	[tilespmem:s28+$0x6480] =	vst v6;
	v1 =	vmul.f32 $1.131370830e+01, v1;
	v6 =	vld [tilespmem:s28+$0x64F0]  }
0x3e: {  	[tilespmem:s28+$0x6490] =	vst v5;
	v0 =	vmul.f32 $1.131370830e+01, v0  }
0x3f: {  	[tilespmem:s28+$0x64A0] =	vst v1;
	v1 =	vmul.f32 $1.131370830e+01, v2  }
0x40: {  	[tilespmem:s28+$0x64B0] =	vst v0;
	v0 =	vmul.f32 $1.131370830e+01, v3  }
0x41: {  	s29 =	sshll.u32 s24, $0x10;
	[tilespmem:s28+$0x64C0] =	vst v1;
	v1 =	vmul.f32 $1.131370830e+01, v4  }
0x42: {  	s29 =	sadd.s32 s6, s29;
	[tilespmem:s28+$0x64D0] =	vst v0;
	v0 =	vmul.f32 $1.131370830e+01, v6  }
0x43: {  	s29 =	sshrl.u32 s29, $0x3;
	[tilespmem:s28+$0x64E0] =	vst v1  }
0x44: {  	[tilespmem:s28+$0x64F0] =	vst v0;
	s28 =	sadd.s32 s3, s29  }
0x45: {  	[hbm4b:s28+s4] =	stream.linear.scatter [tilespmem:s11], [sflag:$0x5], $0x4000, $0x38;
	[tilespmem:$0x16400] =	vst v63  }
0x46: {  	_ =	swait.ge [sflag:s15], $0x4000  }
0x47: {  	[sflag:s15] =	ssyncset.done $0x0  }
0x48: {  	s28 =	simm.s32 @!p0 $0x8;
	[sflag:s15] =	ssyncadd.s32 $0xFFFFC000  }
0x49: {  	s26 =	sor.u32 $0x3, s26;
	_ =	swait.ge @!p0 [sflag:s28], $0x4000  }
0x4a: {  	s29 =	sshll.u32 s26, $0x7;
	[sflag:s28] =	ssyncset.done @!p0 $0x0  }
0x4b: {  	[sflag:s28] =	ssyncadd.s32 @!p0 $0xFFFFC000;
	s28 =	sand.u32 $0x3FFFFF80, s29  }
0x4c: {  	[tilespmem:s16], [sflag:$0x4] =	stream.indirect.gather [hbm4b:s2+s10], $0x80, s28, s10, $0xb8;
	[tilespmem:$0x16400] =	vst v63  }
0x4d: {  	s28 =	simm.s32 $0x0  }
0x4e: {  	v0 =	vld [tilespmem:s28+$0xA400]  }
0x4f: {  	v1 =	vld [tilespmem:s28+$0xA410]  }
0x50: {  	v2 =	vld [tilespmem:s28+$0xA420]  }
0x51: {  	v3 =	vld [tilespmem:s28+$0xA430]  }
0x52: {  	v4 =	vld [tilespmem:s28+$0xA440]  }
0x53: {  	v5 =	vld [tilespmem:s28+$0xA450];
	v0 =	vmul.f32 $1.131370830e+01, v0  }
0x54: {  	v6 =	vld [tilespmem:s28+$0xA460];
	v1 =	vmul.f32 $1.131370830e+01, v1  }
0x55: {  	v7 =	vld [tilespmem:s28+$0xA470];
	[tilespmem:s28+$0xA400] =	vst v0;
	v0 =	vmul.f32 $1.131370830e+01, v2  }
0x56: {  	v8 =	vld [tilespmem:s28+$0xA480];
	[tilespmem:s28+$0xA410] =	vst v1;
	v1 =	vmul.f32 $1.131370830e+01, v3  }
0x57: {  	v9 =	vld [tilespmem:s28+$0xA490];
	[tilespmem:s28+$0xA420] =	vst v0;
	v0 =	vmul.f32 $1.131370830e+01, v4  }
0x58: {  	v2 =	vmul.f32 $1.131370830e+01, v5;
	[tilespmem:s28+$0xA430] =	vst v1;
	v1 =	vld [tilespmem:s28+$0xA4A0]  }
0x59: {  	v3 =	vmul.f32 $1.131370830e+01, v6;
	[tilespmem:s28+$0xA440] =	vst v0;
	v0 =	vld [tilespmem:s28+$0xA4B0]  }
0x5a: {  	[tilespmem:s28+$0xA450] =	vst v2;
	v2 =	vld [tilespmem:s28+$0xA4C0];
	v4 =	vmul.f32 $1.131370830e+01, v7  }
0x5b: {  	v6 =	vmul.f32 $1.131370830e+01, v8;
	[tilespmem:s28+$0xA460] =	vst v3;
	v3 =	vld [tilespmem:s28+$0xA4D0]  }
0x5c: {  	s29 =	simm.s32 $0x400;
	v5 =	vmul.f32 $1.131370830e+01, v9;
	[tilespmem:s28+$0xA470] =	vst v4;
	v4 =	vld [tilespmem:s28+$0xA4E0]  }
.LBB2_5:
0x5d: {  	s30 =	sshra.s32 s29, $0x2;
	p0 =	sne.s32 s29, $0xFC00;
	[tilespmem:s28+$0xA480] =	vst v6;
	v1 =	vmul.f32 $1.131370830e+01, v1;
	v6 =	vld [tilespmem:s28+$0xA4F0]  }
0x5e: {  	v7 =	vld [tilespmem:s30+$0xA400];
	[tilespmem:s28+$0xA490] =	vst v5;
	v0 =	vmul.f32 $1.131370830e+01, v0  }
0x5f: {  	v5 =	vld [tilespmem:s30+$0xA410];
	[tilespmem:s28+$0xA4A0] =	vst v1;
	v1 =	vmul.f32 $1.131370830e+01, v2  }
0x60: {  	v2 =	vld [tilespmem:s30+$0xA420];
	[tilespmem:s28+$0xA4B0] =	vst v0;
	v0 =	vmul.f32 $1.131370830e+01, v3  }
0x61: {  	v3 =	vld [tilespmem:s30+$0xA430];
	[tilespmem:s28+$0xA4C0] =	vst v1;
	v1 =	vmul.f32 $1.131370830e+01, v4  }
0x62: {  	v4 =	vld [tilespmem:s30+$0xA440];
	[tilespmem:s28+$0xA4D0] =	vst v0;
	v0 =	vmul.f32 $1.131370830e+01, v6  }
0x63: {  	v6 =	vmul.f32 $1.131370830e+01, v7;
	v7 =	vld [tilespmem:s30+$0xA450];
	[tilespmem:s28+$0xA4E0] =	vst v1  }
0x64: {  	v1 =	vmul.f32 $1.131370830e+01, v5;
	v5 =	vld [tilespmem:s30+$0xA460];
	[tilespmem:s28+$0xA4F0] =	vst v0;
	s28 =	smov.u32 s30  }
0x65: {  	[tilespmem:s28+$0xA400] =	vst v6;
	v0 =	vmul.f32 $1.131370830e+01, v2;
	v2 =	vld [tilespmem:s28+$0xA470]  }
0x66: {  	[tilespmem:s28+$0xA410] =	vst v1;
	v1 =	vmul.f32 $1.131370830e+01, v3;
	v3 =	vld [tilespmem:s28+$0xA480]  }
0x67: {  	[tilespmem:s28+$0xA420] =	vst v0;
	v0 =	vmul.f32 $1.131370830e+01, v4;
	v4 =	vld [tilespmem:s28+$0xA490]  }
.Ltmp1:
0x68: {  	[tilespmem:s28+$0xA430] =	vst v1;
	v6 =	vmul.f32 $1.131370830e+01, v7;
	v1 =	vld [tilespmem:s28+$0xA4A0];
	(pc) =	sbr.rel @p0 .LBB2_5-.Ltmp1, $4  }
0x69: {  	[tilespmem:s28+$0xA440] =	vst v0;
	v5 =	vmul.f32 $1.131370830e+01, v5;
	v0 =	vld [tilespmem:s28+$0xA4B0]  }
0x6a: {  	[tilespmem:s28+$0xA450] =	vst v6;
	v7 =	vmul.f32 $1.131370830e+01, v2;
	v2 =	vld [tilespmem:s28+$0xA4C0]  }
0x6b: {  	[tilespmem:s28+$0xA460] =	vst v5;
	v6 =	vmul.f32 $1.131370830e+01, v3;
	v3 =	vld [tilespmem:s28+$0xA4D0]  }
0x6c: {  	s29 =	sadd.s32 $0x400, s29;
	[tilespmem:s28+$0xA470] =	vst v7;
	v5 =	vmul.f32 $1.131370830e+01, v4;
	v4 =	vld [tilespmem:s28+$0xA4E0]  }
0x6d: {  	[tilespmem:s28+$0xA480] =	vst v6;
	v1 =	vmul.f32 $1.131370830e+01, v1;
	v6 =	vld [tilespmem:s28+$0xA4F0]  }
0x6e: {  	[tilespmem:s28+$0xA490] =	vst v5;
	v0 =	vmul.f32 $1.131370830e+01, v0  }
0x6f: {  	[tilespmem:s28+$0xA4A0] =	vst v1;
	v1 =	vmul.f32 $1.131370830e+01, v2  }
0x70: {  	[tilespmem:s28+$0xA4B0] =	vst v0;
	v0 =	vmul.f32 $1.131370830e+01, v3  }
0x71: {  	[tilespmem:s28+$0xA4C0] =	vst v1;
	v1 =	vmul.f32 $1.131370830e+01, v4  }
0x72: {  	[tilespmem:s28+$0xA4D0] =	vst v0;
	v0 =	vmul.f32 $1.131370830e+01, v6  }
0x73: {  	s29 =	sshll.u32 s24, $0xD;
	[tilespmem:s28+$0xA4E0] =	vst v1  }
0x74: {  	[tilespmem:s28+$0xA4F0] =	vst v0;
	s28 =	sadd.s32 s8, s29  }
0x75: {  	[hbm4b:s28+s4] =	stream.linear.scatter [tilespmem:s12], [sflag:$0x6], $0x4000, $0x38;
	[tilespmem:$0x16400] =	vst v63  }
0x76: {  	_ =	swait.ge [sflag:s17], $0x4000  }
0x77: {  	p0 =	seq.s32 s24, $0x31;
	[sflag:s17] =	ssyncset.done $0x0  }
0x78: {  	s28 =	simm.s32 @!p0 $0x5;
	[sflag:s17] =	ssyncadd.s32 $0xFFFFC000  }
0x79: {  	_ =	swait.ge @!p0 [sflag:s28], $0x4000  }
0x7a: {  	s29 =	sshll.u32 @!p0 s24, $0x9;
	[sflag:s28] =	ssyncset.done @!p0 $0x0  }
0x7b: {  	[sflag:s28] =	ssyncadd.s32 @!p0 $0xFFFFC000;
	s28 =	sand.u32 @!p0 $0x3FFFFE00, s29  }
0x7c: {  	s30 =	simm.s32 @!p0 $0x80;
	s31 =	simm.s32 @!p0 $0x6400;
	s29 =	sadd.s32 @!p0 $0x200, s28  }
0x7d: {  	[tilespmem:s31], [sflag:$0x1] =	stream.indirect.gather @!p0 [hbm4b:s2+s30], $0x80, s29, s30, $0xb8;
	[tilespmem:$0x16400] =	vst v63  }
0x7e: {  	s29 =	simm.s32 $0x0  }
0x7f: {  	v0 =	vld [tilespmem:s29+$0xE400]  }
0x80: {  	v1 =	vld [tilespmem:s29+$0xE410]  }
0x81: {  	v2 =	vld [tilespmem:s29+$0xE420]  }
0x82: {  	v3 =	vld [tilespmem:s29+$0xE430]  }
0x83: {  	v4 =	vld [tilespmem:s29+$0xE440]  }
0x84: {  	v5 =	vld [tilespmem:s29+$0xE450];
	v0 =	vmul.f32 $1.131370830e+01, v0  }
0x85: {  	v6 =	vld [tilespmem:s29+$0xE460];
	v1 =	vmul.f32 $1.131370830e+01, v1  }
0x86: {  	v7 =	vld [tilespmem:s29+$0xE470];
	[tilespmem:s29+$0xE400] =	vst v0;
	v0 =	vmul.f32 $1.131370830e+01, v2  }
0x87: {  	v8 =	vld [tilespmem:s29+$0xE480];
	[tilespmem:s29+$0xE410] =	vst v1;
	v1 =	vmul.f32 $1.131370830e+01, v3  }
0x88: {  	v9 =	vld [tilespmem:s29+$0xE490];
	[tilespmem:s29+$0xE420] =	vst v0;
	v0 =	vmul.f32 $1.131370830e+01, v4  }
0x89: {  	v2 =	vmul.f32 $1.131370830e+01, v5;
	[tilespmem:s29+$0xE430] =	vst v1;
	v1 =	vld [tilespmem:s29+$0xE4A0]  }
0x8a: {  	v3 =	vmul.f32 $1.131370830e+01, v6;
	[tilespmem:s29+$0xE440] =	vst v0;
	v0 =	vld [tilespmem:s29+$0xE4B0]  }
0x8b: {  	[tilespmem:s29+$0xE450] =	vst v2;
	v2 =	vld [tilespmem:s29+$0xE4C0];
	v4 =	vmul.f32 $1.131370830e+01, v7  }
0x8c: {  	v6 =	vmul.f32 $1.131370830e+01, v8;
	[tilespmem:s29+$0xE460] =	vst v3;
	v3 =	vld [tilespmem:s29+$0xE4D0]  }
0x8d: {  	s30 =	simm.s32 $0x400;
	v5 =	vmul.f32 $1.131370830e+01, v9;
	[tilespmem:s29+$0xE470] =	vst v4;
	v4 =	vld [tilespmem:s29+$0xE4E0]  }
.LBB2_7:
0x8e: {  	s31 =	sshra.s32 s30, $0x2;
	p1 =	sne.s32 s30, $0xFC00;
	[tilespmem:s29+$0xE480] =	vst v6;
	v1 =	vmul.f32 $1.131370830e+01, v1;
	v6 =	vld [tilespmem:s29+$0xE4F0]  }
0x8f: {  	v7 =	vld [tilespmem:s31+$0xE400];
	[tilespmem:s29+$0xE490] =	vst v5;
	v0 =	vmul.f32 $1.131370830e+01, v0  }
0x90: {  	v5 =	vld [tilespmem:s31+$0xE410];
	[tilespmem:s29+$0xE4A0] =	vst v1;
	v1 =	vmul.f32 $1.131370830e+01, v2  }
0x91: {  	v2 =	vld [tilespmem:s31+$0xE420];
	[tilespmem:s29+$0xE4B0] =	vst v0;
	v0 =	vmul.f32 $1.131370830e+01, v3  }
0x92: {  	v3 =	vld [tilespmem:s31+$0xE430];
	[tilespmem:s29+$0xE4C0] =	vst v1;
	v1 =	vmul.f32 $1.131370830e+01, v4  }
0x93: {  	v4 =	vld [tilespmem:s31+$0xE440];
	[tilespmem:s29+$0xE4D0] =	vst v0;
	v0 =	vmul.f32 $1.131370830e+01, v6  }
0x94: {  	v6 =	vmul.f32 $1.131370830e+01, v7;
	v7 =	vld [tilespmem:s31+$0xE450];
	[tilespmem:s29+$0xE4E0] =	vst v1  }
0x95: {  	v1 =	vmul.f32 $1.131370830e+01, v5;
	v5 =	vld [tilespmem:s31+$0xE460];
	[tilespmem:s29+$0xE4F0] =	vst v0;
	s29 =	smov.u32 s31  }
0x96: {  	[tilespmem:s29+$0xE400] =	vst v6;
	v0 =	vmul.f32 $1.131370830e+01, v2;
	v2 =	vld [tilespmem:s29+$0xE470]  }
0x97: {  	[tilespmem:s29+$0xE410] =	vst v1;
	v1 =	vmul.f32 $1.131370830e+01, v3;
	v3 =	vld [tilespmem:s29+$0xE480]  }
0x98: {  	[tilespmem:s29+$0xE420] =	vst v0;
	v0 =	vmul.f32 $1.131370830e+01, v4;
	v4 =	vld [tilespmem:s29+$0xE490]  }
.Ltmp2:
0x99: {  	[tilespmem:s29+$0xE430] =	vst v1;
	v6 =	vmul.f32 $1.131370830e+01, v7;
	v1 =	vld [tilespmem:s29+$0xE4A0];
	(pc) =	sbr.rel @p1 .LBB2_7-.Ltmp2, $4  }
0x9a: {  	[tilespmem:s29+$0xE440] =	vst v0;
	v5 =	vmul.f32 $1.131370830e+01, v5;
	v0 =	vld [tilespmem:s29+$0xE4B0]  }
0x9b: {  	[tilespmem:s29+$0xE450] =	vst v6;
	v7 =	vmul.f32 $1.131370830e+01, v2;
	v2 =	vld [tilespmem:s29+$0xE4C0]  }
0x9c: {  	[tilespmem:s29+$0xE460] =	vst v5;
	v6 =	vmul.f32 $1.131370830e+01, v3;
	v3 =	vld [tilespmem:s29+$0xE4D0]  }
0x9d: {  	s30 =	sadd.s32 $0x400, s30;
	[tilespmem:s29+$0xE470] =	vst v7;
	v5 =	vmul.f32 $1.131370830e+01, v4;
	v4 =	vld [tilespmem:s29+$0xE4E0]  }
0x9e: {  	[tilespmem:s29+$0xE480] =	vst v6;
	v1 =	vmul.f32 $1.131370830e+01, v1;
	v6 =	vld [tilespmem:s29+$0xE4F0]  }
0x9f: {  	[tilespmem:s29+$0xE490] =	vst v5;
	v0 =	vmul.f32 $1.131370830e+01, v0  }
0xa0: {  	[tilespmem:s29+$0xE4A0] =	vst v1;
	v1 =	vmul.f32 $1.131370830e+01, v2  }
0xa1: {  	[tilespmem:s29+$0xE4B0] =	vst v0;
	v0 =	vmul.f32 $1.131370830e+01, v3  }
0xa2: {  	s25 =	sshll.u32 s25, $0xE;
	[tilespmem:s29+$0xE4C0] =	vst v1;
	v1 =	vmul.f32 $1.131370830e+01, v4  }
0xa3: {  	s25 =	sadd.s32 s6, s25;
	[tilespmem:s29+$0xE4D0] =	vst v0;
	v0 =	vmul.f32 $1.131370830e+01, v6  }
0xa4: {  	s25 =	sshrl.u32 s25, $0x3;
	[tilespmem:s29+$0xE4E0] =	vst v1  }
0xa5: {  	s25 =	sadd.s32 s3, s25;
	[tilespmem:s29+$0xE4F0] =	vst v0  }
0xa6: {  	[hbm4b:s25+s4] =	stream.linear.scatter [tilespmem:s14], [sflag:$0x7], $0x4000, $0x38;
	[tilespmem:$0x16400] =	vst v63  }
0xa7: {  	_ =	swait.ge [sflag:s18], $0x4000  }
0xa8: {  	[sflag:s18] =	ssyncset.done $0x0  }
0xa9: {  	s25 =	simm.s32 @!p0 $0x6;
	[sflag:s18] =	ssyncadd.s32 $0xFFFFC000  }
0xaa: {  	_ =	swait.ge @!p0 [sflag:s25], $0x4000  }
0xab: {  	s29 =	simm.s32 @!p0 $0xA400;
	[sflag:s25] =	ssyncset.done @!p0 $0x0  }
0xac: {  	[sflag:s25] =	ssyncadd.s32 @!p0 $0xFFFFC000;
	s25 =	sadd.s32 @!p0 $0x280, s28;
	s28 =	simm.s32 @!p0 $0x80  }
0xad: {  	[tilespmem:s29], [sflag:$0x2] =	stream.indirect.gather @!p0 [hbm4b:s2+s28], $0x80, s25, s28, $0xb8;
	[tilespmem:$0x16400] =	vst v63  }
0xae: {  	s25 =	simm.s32 $0x0  }
0xaf: {  	v0 =	vld [tilespmem:s25+$0x12400]  }
0xb0: {  	v1 =	vld [tilespmem:s25+$0x12410]  }
0xb1: {  	v2 =	vld [tilespmem:s25+$0x12420]  }
0xb2: {  	v3 =	vld [tilespmem:s25+$0x12430]  }
0xb3: {  	v4 =	vld [tilespmem:s25+$0x12440]  }
0xb4: {  	v5 =	vld [tilespmem:s25+$0x12450];
	v0 =	vmul.f32 $1.131370830e+01, v0  }
0xb5: {  	v6 =	vld [tilespmem:s25+$0x12460];
	v1 =	vmul.f32 $1.131370830e+01, v1  }
0xb6: {  	v7 =	vld [tilespmem:s25+$0x12470];
	[tilespmem:s25+$0x12400] =	vst v0;
	v0 =	vmul.f32 $1.131370830e+01, v2  }
0xb7: {  	v8 =	vld [tilespmem:s25+$0x12480];
	[tilespmem:s25+$0x12410] =	vst v1;
	v1 =	vmul.f32 $1.131370830e+01, v3  }
0xb8: {  	v9 =	vld [tilespmem:s25+$0x12490];
	[tilespmem:s25+$0x12420] =	vst v0;
	v0 =	vmul.f32 $1.131370830e+01, v4  }
0xb9: {  	v2 =	vmul.f32 $1.131370830e+01, v5;
	[tilespmem:s25+$0x12430] =	vst v1;
	v1 =	vld [tilespmem:s25+$0x124A0]  }
0xba: {  	v3 =	vmul.f32 $1.131370830e+01, v6;
	[tilespmem:s25+$0x12440] =	vst v0;
	v0 =	vld [tilespmem:s25+$0x124B0]  }
0xbb: {  	[tilespmem:s25+$0x12450] =	vst v2;
	v2 =	vld [tilespmem:s25+$0x124C0];
	v4 =	vmul.f32 $1.131370830e+01, v7  }
0xbc: {  	v6 =	vmul.f32 $1.131370830e+01, v8;
	[tilespmem:s25+$0x12460] =	vst v3;
	v3 =	vld [tilespmem:s25+$0x124D0]  }
0xbd: {  	s28 =	simm.s32 $0x400;
	v5 =	vmul.f32 $1.131370830e+01, v9;
	[tilespmem:s25+$0x12470] =	vst v4;
	v4 =	vld [tilespmem:s25+$0x124E0]  }
.LBB2_9:
0xbe: {  	s29 =	sshra.s32 s28, $0x2;
	p0 =	sne.s32 s28, $0xFC00;
	[tilespmem:s25+$0x12480] =	vst v6;
	v1 =	vmul.f32 $1.131370830e+01, v1;
	v6 =	vld [tilespmem:s25+$0x124F0]  }
0xbf: {  	v7 =	vld [tilespmem:s29+$0x12400];
	[tilespmem:s25+$0x12490] =	vst v5;
	v0 =	vmul.f32 $1.131370830e+01, v0  }
0xc0: {  	v5 =	vld [tilespmem:s29+$0x12410];
	[tilespmem:s25+$0x124A0] =	vst v1;
	v1 =	vmul.f32 $1.131370830e+01, v2  }
0xc1: {  	v2 =	vld [tilespmem:s29+$0x12420];
	[tilespmem:s25+$0x124B0] =	vst v0;
	v0 =	vmul.f32 $1.131370830e+01, v3  }
0xc2: {  	v3 =	vld [tilespmem:s29+$0x12430];
	[tilespmem:s25+$0x124C0] =	vst v1;
	v1 =	vmul.f32 $1.131370830e+01, v4  }
0xc3: {  	v4 =	vld [tilespmem:s29+$0x12440];
	[tilespmem:s25+$0x124D0] =	vst v0;
	v0 =	vmul.f32 $1.131370830e+01, v6  }
0xc4: {  	v6 =	vmul.f32 $1.131370830e+01, v7;
	v7 =	vld [tilespmem:s29+$0x12450];
	[tilespmem:s25+$0x124E0] =	vst v1  }
0xc5: {  	v1 =	vmul.f32 $1.131370830e+01, v5;
	v5 =	vld [tilespmem:s29+$0x12460];
	[tilespmem:s25+$0x124F0] =	vst v0;
	s25 =	smov.u32 s29  }
0xc6: {  	[tilespmem:s25+$0x12400] =	vst v6;
	v0 =	vmul.f32 $1.131370830e+01, v2;
	v2 =	vld [tilespmem:s25+$0x12470]  }
0xc7: {  	[tilespmem:s25+$0x12410] =	vst v1;
	v1 =	vmul.f32 $1.131370830e+01, v3;
	v3 =	vld [tilespmem:s25+$0x12480]  }
0xc8: {  	[tilespmem:s25+$0x12420] =	vst v0;
	v0 =	vmul.f32 $1.131370830e+01, v4;
	v4 =	vld [tilespmem:s25+$0x12490]  }
.Ltmp3:
0xc9: {  	[tilespmem:s25+$0x12430] =	vst v1;
	v6 =	vmul.f32 $1.131370830e+01, v7;
	v1 =	vld [tilespmem:s25+$0x124A0];
	(pc) =	sbr.rel @p0 .LBB2_9-.Ltmp3, $4  }
0xca: {  	[tilespmem:s25+$0x12440] =	vst v0;
	v5 =	vmul.f32 $1.131370830e+01, v5;
	v0 =	vld [tilespmem:s25+$0x124B0]  }
0xcb: {  	[tilespmem:s25+$0x12450] =	vst v6;
	v7 =	vmul.f32 $1.131370830e+01, v2;
	v2 =	vld [tilespmem:s25+$0x124C0]  }
0xcc: {  	[tilespmem:s25+$0x12460] =	vst v5;
	v6 =	vmul.f32 $1.131370830e+01, v3;
	v3 =	vld [tilespmem:s25+$0x124D0]  }
0xcd: {  	s28 =	sadd.s32 $0x400, s28;
	[tilespmem:s25+$0x12470] =	vst v7;
	v5 =	vmul.f32 $1.131370830e+01, v4;
	v4 =	vld [tilespmem:s25+$0x124E0]  }
0xce: {  	[tilespmem:s25+$0x12480] =	vst v6;
	v1 =	vmul.f32 $1.131370830e+01, v1;
	v59 =	vld [tilespmem:s25+$0x124F0]  }
0xcf: {  	[tilespmem:s25+$0x12490] =	vst v5;
	v0 =	vmul.f32 $1.131370830e+01, v0  }
0xd0: {  	s24 =	sadd.s32 $0x1, s24;
	[tilespmem:s25+$0x124A0] =	vst v1;
	v60 =	vmul.f32 $1.131370830e+01, v2  }
0xd1: {  	p0 =	sne.s32 s24, $0x32;
	[tilespmem:s25+$0x124B0] =	vst v0;
	v61 =	vmul.f32 $1.131370830e+01, v3  }
.Ltmp4:
0xd2: {  	s26 =	sshll.u32 s26, $0xE;
	[tilespmem:s25+$0x124C0] =	vst v60;
	v62 =	vmul.f32 $1.131370830e+01, v4;
	(pc) =	sbr.rel @p0 .LBB2_2-.Ltmp4, $4  }
0xd3: {  	s26 =	sadd.s32 s6, s26;
	[tilespmem:s25+$0x124D0] =	vst v61;
	v63 =	vmul.f32 $1.131370830e+01, v59  }
0xd4: {  	s26 =	sshrl.u32 s26, $0x3;
	[tilespmem:s25+$0x124E0] =	vst v62  }
0xd5: {  	s31 =	sadd.s32 s3, s26;
	[tilespmem:s25+$0x124F0] =	vst v63  }
0xd6: {  	[hbm4b:s31+s4] =	stream.linear.scatter [tilespmem:s16], [sflag:$0x8], $0x4000, $0x38;
	[tilespmem:$0x16400] =	vst v63  }
0xd7: {  	_ =	swait.ge [sflag:s19], $0x4000  }
0xd8: {  	[sflag:s19] =	ssyncset.done $0x0  }
0xd9: {  	[sflag:s19] =	ssyncadd.s32 $0xFFFFC000  }
0xda: {  	_ =	swait.ge [sflag:s20], $0x4000  }
0xdb: {  	[sflag:s20] =	ssyncset.done $0x0  }
0xdc: {  	s23 =	sadd.s32 $0x1, s23;
	[sflag:s20] =	ssyncadd.s32 $0xFFFFC000  }
0xdd: {  	p0 =	sne.s32 s23, s7;
	_ =	swait.ge [sflag:s21], $0x4000  }
.Ltmp5:
0xde: {  	[sflag:s21] =	ssyncset.done $0x0;
	(pc) =	sbr.rel @p0 .LBB2_1-.Ltmp5, $4  }
0xdf: {  	[sflag:s21] =	ssyncadd.s32 $0xFFFFC000  }
0xe0: {  	_ =	swait.ge [sflag:s22], $0x4000  }
0xe1: {  	[sflag:s22] =	ssyncset.done $0x0  }
0xe2: {  	[sflag:s22] =	ssyncadd.s32 $0xFFFFC000  }
0xe3: {  	_ =	sfence.sel $0x180000  }
0xe4: {  	[bflag:$0x0] =	sbarrier.arrive $0xFFFF  }
0xe5: {  	p0 =	sne.s32 s0, $0x0;
	_ =	strace $0x90000047  }
0xe6: {  	s0 =	sadd.s32 @!p0 $0x100000, s1;
	[bflag:$0x2] =	sbarrier.arrive $0xFFFF  }
0xe7: {  	[sflag:s0] =	ssyncadd.tile.s32 @!p0 $0x1;
	_ =	shalt  }
.Lfunc_end2:
_tile_overlayer_lowered:
.L_overlay_start_2:
0xe8: {  	(tag) =	ssettag $0x2  }
0xe9: {  	s0 =	rddreg [dreg:$0x0];
	s2 =	stileid.u32  }
0xea: {  	s1 =	rddreg [dreg:$0x1];
	p0 =	sne.s32 s2, $0x0  }
0xeb: {  	s3 =	rddreg [dreg:$0x2];
	[bflag:$0x3] =	sbarrier.arrive $0xFFFF;
	s2 =	simm.s32 @!p0 $0x1C09  }
0xec: {  	[timem:s3], [sflag:s2] =	dma.local @!p0 [hbm:s0], s1  }
0xed: {  	s0 =	simm.s32 @!p0 $0x9  }
0xee: {  	_ =	swait.ge @!p0 [sflag:s0], s1  }
0xef: {  	s1 =	ssub.s32 @!p0 $0x0, s1;
	[sflag:s0] =	ssyncset.done @!p0 $0x0  }
0xf0: {  	[sflag:s0] =	ssyncadd.s32 @!p0 s1  }
0xf1: {  	[bflag:$0x3] =	sbarrier.arrive $0xFFFF  }
0xf2: {  	_ =	shalt  }

</sc_bundles>
